<compile_context>
chip_gen: v7x
topology: tpu7x:2x2x1
jax: 0.10.2.dev20260603
libtpu: 0.0.44.dev20260713+nightly
codegen_flags: <defaults>
</compile_context>

<pallas_src>
import functools

import jax
import jax.numpy as jnp
from jax import lax
from jax.experimental import pallas as pl
from jax.experimental.pallas import tpu as pltpu
from jax.experimental.pallas import tpu_sc as plsc

_B, _N, _NC = 8, 20000, 80
_NP = 20480
_TILE = 2048
_CONF = 0.6
_IOU = 0.45
_MAXDET = 300
_MAXWH = 4096.0

_NSUB = 32
_QPI = 4
_CHUNK = _NP // _QPI
_KQ = 384
_K = _KQ * _QPI
_NBINS = 64
_BINSCALE = _NBINS / 0.4
_TGT = 1152.0


def _prep_body(x_ref, score_ref, x1o_ref, y1o_ref, x2o_ref, y2o_ref, cls_ref,
               hist_ref):
    t = pl.program_id(0)
    x = x_ref[...]
    obj = x[4]
    cls_scores = x[5:5 + _NC] * x[4:5]
    conf = jnp.max(cls_scores, axis=0)
    ch = jax.lax.broadcasted_iota(jnp.int32, cls_scores.shape, 0)
    j = jnp.min(jnp.where(cls_scores == conf[None], ch, _NC),
                axis=0).astype(jnp.float32)
    xc, yc = x[0], x[1]
    w, h = x[2], x[3]
    x1 = xc - w / 2.0
    y1 = yc - h / 2.0
    x2 = xc + w / 2.0
    y2 = yc + h / 2.0
    off = j * _MAXWH
    row = t * _TILE + jax.lax.broadcasted_iota(jnp.int32, obj.shape, 1)
    inb = row < _N
    valid = inb & (obj > _CONF) & (conf > _CONF)
    score = jnp.where(valid, conf, -1.0)

    def msk(v):
        return jnp.where(inb, v, 0.0)

    score_ref[...] = score
    x1o_ref[...] = msk(x1 + off)
    y1o_ref[...] = msk(y1 + off)
    x2o_ref[...] = msk(x2 + off)
    y2o_ref[...] = msk(y2 + off)
    cls_ref[...] = msk(j)

    binp = ((score - _CONF) * _BINSCALE).astype(jnp.int32)
    rk = jax.lax.broadcasted_iota(jnp.int32, (_B, _TILE, _NBINS), 2)
    onehot3 = binp[:, :, None] == (_NBINS - 1 - rk)
    part = jnp.sum(jnp.where(onehot3, 1.0, 0.0), axis=1)

    @pl.when(t == 0)
    def _init():
        hist_ref[...] = part

    @pl.when(t != 0)
    def _acc():
        hist_ref[...] += part


def _compact_body(s_hbm, x1_hbm, y1_hbm, x2_hbm, y2_hbm, c_hbm, h_hbm,
                  so_hbm, x1o_hbm, y1o_hbm, x2o_hbm, y2o_hbm, co_hbm,
                  sv, x1v, y1v, x2v, y2v, cv,
                  os_v, ox1_v, oy1_v, ox2_v, oy2_v, oc_v, histv, sem):
    c = lax.axis_index("c")
    s = lax.axis_index("s")
    img = c * (_B // 2) + s // _QPI
    q = s % _QPI
    base = q * _CHUNK
    lane = lax.iota(jnp.int32, 16)

    cps = [pltpu.make_async_copy(s_hbm.at[img, pl.ds(base, _CHUNK)], sv, sem),
           pltpu.make_async_copy(x1_hbm.at[img, pl.ds(base, _CHUNK)], x1v, sem),
           pltpu.make_async_copy(y1_hbm.at[img, pl.ds(base, _CHUNK)], y1v, sem),
           pltpu.make_async_copy(x2_hbm.at[img, pl.ds(base, _CHUNK)], x2v, sem),
           pltpu.make_async_copy(y2_hbm.at[img, pl.ds(base, _CHUNK)], y2v, sem),
           pltpu.make_async_copy(c_hbm.at[img, pl.ds(base, _CHUNK)], cv, sem),
           pltpu.make_async_copy(h_hbm.at[img], histv, sem)]
    for cp in cps:
        cp.start()
    for cp in cps:
        cp.wait()

    def suffix_step(v, carry):
        bstar, above = carry
        cvec = histv[pl.ds(v * 16, 16)]
        suf = plsc.cumsum(cvec) + above
        qual = suf >= _TGT
        cand = jnp.where(qual, _NBINS - 1 - (v * 16 + lane), -1)
        return (jnp.maximum(bstar, jnp.max(cand)), above + jnp.sum(cvec))
    bstar, _ = lax.fori_loop(0, _NBINS // 16, suffix_step,
                             (jnp.int32(-1), jnp.float32(0.0)))

    def fill_step(v, _):
        sl = pl.ds(v * 16, 16)
        os_v[sl] = jnp.full((16,), -1.0, jnp.float32)
        z = jnp.zeros((16,), jnp.float32)
        ox1_v[sl] = z
        oy1_v[sl] = z
        ox2_v[sl] = z
        oy2_v[sl] = z
        oc_v[sl] = z
        return 0
    lax.fori_loop(0, (_KQ + 16) // 16, fill_step, 0)

    def comp_step(i, cnt):
        svec = sv[pl.ds(i * 16, 16)]
        b = ((svec - _CONF) * _BINSCALE).astype(jnp.int32)
        mk = b >= bstar
        at = pl.ds(jnp.minimum(cnt, _KQ), 16)
        plsc.store_compressed(os_v.at[at], svec, mask=mk)
        plsc.store_compressed(ox1_v.at[at], x1v[pl.ds(i * 16, 16)], mask=mk)
        plsc.store_compressed(oy1_v.at[at], y1v[pl.ds(i * 16, 16)], mask=mk)
        plsc.store_compressed(ox2_v.at[at], x2v[pl.ds(i * 16, 16)], mask=mk)
        plsc.store_compressed(oy2_v.at[at], y2v[pl.ds(i * 16, 16)], mask=mk)
        plsc.store_compressed(oc_v.at[at], cv[pl.ds(i * 16, 16)], mask=mk)
        return cnt + jnp.sum(mk.astype(jnp.int32))
    lax.fori_loop(0, _CHUNK // 16, comp_step, jnp.int32(0))

    out_at = pl.ds(q * _KQ, _KQ)
    pltpu.sync_copy(os_v.at[pl.ds(0, _KQ)], so_hbm.at[img, out_at])
    pltpu.sync_copy(ox1_v.at[pl.ds(0, _KQ)], x1o_hbm.at[img, out_at])
    pltpu.sync_copy(oy1_v.at[pl.ds(0, _KQ)], y1o_hbm.at[img, out_at])
    pltpu.sync_copy(ox2_v.at[pl.ds(0, _KQ)], x2o_hbm.at[img, out_at])
    pltpu.sync_copy(oy2_v.at[pl.ds(0, _KQ)], y2o_hbm.at[img, out_at])
    pltpu.sync_copy(oc_v.at[pl.ds(0, _KQ)], co_hbm.at[img, out_at])


_MINT = -2147483648


def _greedy_body(score_in, x1o_ref, y1o_ref, x2o_ref, y2o_ref, cls_ref,
                 det_ref, s_ref):
    x1o = x1o_ref[...]
    y1o = y1o_ref[...]
    x2o = x2o_ref[...]
    y2o = y2o_ref[...]
    a2 = (x2o - x1o) * (y2o - y1o)
    cls = cls_ref[...]
    lane = jax.lax.broadcasted_iota(jnp.int32, (_B, _K), 1)

    s = score_in[...]
    for d in (1, 2, 3):
        sd = jnp.concatenate(
            [jnp.zeros((_B, d), jnp.float32), s[:, :_K - d]], axis=1)
        samegrp = (lane >> 2) == ((lane - d) >> 2)
        dup = (s == sd) & samegrp & (s > 0.0)
        s = jnp.where(dup, jax.lax.bitcast_convert_type(
            jax.lax.bitcast_convert_type(s, jnp.int32) - 1, jnp.float32), s)
    grp_rank = 511 - (lane >> 2)
    ikey = jax.lax.bitcast_convert_type(s, jnp.int32)
    key = ((ikey & 0x7FFFFF) << 9) | grp_rank
    s_ref[...] = jnp.where(s > 0.0, key ^ _MINT, _MINT)

    def step(t, carry):
        skey = s_ref[...]
        smax = jnp.max(skey, axis=1, keepdims=True)
        onehot = skey == smax
        keep = smax != _MINT
        m23 = jax.lax.shift_right_logical(smax ^ _MINT, 9) & 0x7FFFFF
        si = jax.lax.bitcast_convert_type((126 << 23) | m23, jnp.float32)

        def sel(v):
            return jnp.sum(jnp.where(onehot, v, 0.0), axis=1,
                           keepdims=True)

        bx1 = sel(x1o)
        by1 = sel(y1o)
        bx2 = sel(x2o)
        by2 = sel(y2o)
        ccls = sel(cls)
        coff = ccls * _MAXWH
        iw = jnp.clip(jnp.minimum(bx2, x2o) - jnp.maximum(bx1, x1o), 0.0, None)
        ih = jnp.clip(jnp.minimum(by2, y2o) - jnp.maximum(by1, y1o), 0.0, None)
        inter = iw * ih
        a1 = (bx2 - bx1) * (by2 - by1)
        iou = inter / (a1 + a2 - inter + 1e-9)
        s_ref[...] = jnp.where(iou > _IOU, _MINT, skey)

        row = jnp.concatenate([bx1 - coff, by1 - coff, bx2 - coff,
                               by2 - coff, si, ccls], axis=1)
        row = jnp.where(keep, row, 0.0)
        det_ref[pl.ds(t, 1), :, :] = row[None]
        return carry

    jax.lax.fori_loop(0, _MAXDET, step, 0, unroll=4)


def kernel(prediction):
    pred_t = jnp.transpose(prediction, (2, 0, 1))
    grid = _NP // _TILE
    vec = jax.ShapeDtypeStruct((_B, _NP), jnp.float32)
    prep = pl.pallas_call(
        _prep_body,
        grid=(grid,),
        in_specs=[pl.BlockSpec((5 + _NC, _B, _TILE), lambda t: (0, 0, t))],
        out_specs=([pl.BlockSpec((_B, _TILE), lambda t: (0, t))] * 6
                   + [pl.BlockSpec((_B, _NBINS), lambda t: (0, 0))]),
        out_shape=[vec] * 6 + [jax.ShapeDtypeStruct((_B, _NBINS),
                                                    jnp.float32)],
        compiler_params=pltpu.CompilerParams(allow_input_fusion=[True]),
    )
    arrs = prep(pred_t)

    kvec = jax.ShapeDtypeStruct((_B, _K), jnp.float32)
    mesh = plsc.VectorSubcoreMesh(core_axis_name="c", subcore_axis_name="s")
    chunk = functools.partial(pltpu.VMEM, (_CHUNK,), jnp.float32)
    obuf = functools.partial(pltpu.VMEM, (_KQ + 16,), jnp.float32)
    compact = functools.partial(
        pl.kernel,
        mesh=mesh,
        out_type=[kvec] * 6,
        scratch_types=(
            [chunk() for _ in range(6)]
            + [obuf() for _ in range(6)]
            + [pltpu.VMEM((_NBINS,), jnp.float32),
               pltpu.SemaphoreType.DMA]
        ),
        compiler_params=pltpu.CompilerParams(needs_layout_passes=False),
    )(_compact_body)
    carrs = compact(*arrs)

    det = pl.pallas_call(
        _greedy_body,
        out_shape=jax.ShapeDtypeStruct((_MAXDET, _B, 6), jnp.float32),
        scratch_shapes=[pltpu.VMEM((_B, _K), jnp.int32)],
    )(*carrs)
    return jnp.transpose(det, (1, 0, 2))

# --- scband reference (transcript-rebuilt; emitter-appended) ---
"""Pipeline reference for scband-yolov2-od-83708912599288 (READ-ONLY COPY).

The authoritative reference and input builder live on the scoring server;
editing this copy changes nothing except your own understanding.
"""

import jax, jax.numpy as jnp
import numpy as np

B, N, NC = 8, 20000, 80
IMG = 544.0
CONF_THRES = 0.6
IOU_THRES = 0.45
MAX_DET = 300
MAX_WH = 4096.0


def setup_inputs(seed: int = 0) -> dict:
    key = jax.random.key(seed)
    pred = jax.random.uniform(key, (B, N, 5 + NC), dtype=jnp.float32)
    # scale xywh channels to realistic image-coordinate boxes (inp_dim=544)
    xy = pred[..., :2] * IMG
    wh = pred[..., 2:4] * 128.0 + 2.0
    pred = jnp.concatenate([xy, wh, pred[..., 4:]], axis=-1)
    return {"prediction": pred}


def xywh2xyxy(x):
    xc, yc, w, h = x[:, 0], x[:, 1], x[:, 2], x[:, 3]
    return jnp.stack([xc - w / 2.0, yc - h / 2.0, xc + w / 2.0, yc + h / 2.0], axis=1)


def _box_iou_one(b, boxes):
    lt = jnp.maximum(b[:2], boxes[:, :2])
    rb = jnp.minimum(b[2:4], boxes[:, 2:4])
    wh = jnp.clip(rb - lt, 0.0, None)
    inter = wh[:, 0] * wh[:, 1]
    area1 = (b[2] - b[0]) * (b[3] - b[1])
    area2 = (boxes[:, 2] - boxes[:, 0]) * (boxes[:, 3] - boxes[:, 1])
    return inter / (area1 + area2 - inter + 1e-9)


def _nms_single(pred):
    # pred: [N, 85] = [xywh, obj_conf, 80 class scores]
    obj = pred[:, 4]
    cls_scores = pred[:, 5:] * pred[:, 4:5]  # x[:, 5:] *= x[:, 4:5]
    conf = jnp.max(cls_scores, axis=1)
    j = jnp.argmax(cls_scores, axis=1)
    box = xywh2xyxy(pred[:, :4])
    # candidate filter (obj > conf_thres) then (conf > conf_thres), done via masking
    valid = (obj > CONF_THRES) & (conf > CONF_THRES)
    scores = jnp.where(valid, conf, -1.0)
    # class-offset trick (agnostic=False): c = class * max_wh
    boxes_off = box + (j.astype(jnp.float32) * MAX_WH)[:, None]

    def body(s, _):
        i = jnp.argmax(s)
        si = s[i]
        iou = _box_iou_one(boxes_off[i], boxes_off)
        s_new = jnp.where(iou > IOU_THRES, -1.0, s)
        s_new = s_new.at[i].set(-1.0)
        return s_new, (i, si)

    _, (idxs, sels) = jax.lax.scan(body, scores, None, length=MAX_DET)
    det = jnp.concatenate(
        [box[idxs], conf[idxs][:, None], j[idxs].astype(jnp.float32)[:, None]], axis=1
    )
    keep = (sels > 0.0)[:, None]
    det = jnp.where(keep, det, 0.0)
    return det


def reference(prediction):
    # fixed-shape greedy NMS per image -> [B, MAX_DET, 6] (xyxy, conf, cls); padded rows are zero
    return jax.vmap(_nms_single)(prediction)

if __name__ == "__main__":
    import jax
    _d = setup_inputs()
    print(jax.jit(kernel)(*tuple(_d.values())))

</pallas_src>

<mosaic_0001>
#map = affine_map<(d0, d1) -> (0, 0)>
module attributes {stable_mosaic.version = 14 : i64} {
  func.func @_compact_body(%arg0: i32, %arg1: i32, %arg2: memref<8x20480xf32, #tpu.memory_space<hbm>>, %arg3: memref<8x20480xf32, #tpu.memory_space<hbm>>, %arg4: memref<8x20480xf32, #tpu.memory_space<hbm>>, %arg5: memref<8x20480xf32, #tpu.memory_space<hbm>>, %arg6: memref<8x20480xf32, #tpu.memory_space<hbm>>, %arg7: memref<8x20480xf32, #tpu.memory_space<hbm>>, %arg8: memref<8x64xf32, #tpu.memory_space<hbm>>, %arg9: memref<8x1536xf32, #tpu.memory_space<hbm>>, %arg10: memref<8x1536xf32, #tpu.memory_space<hbm>>, %arg11: memref<8x1536xf32, #tpu.memory_space<hbm>>, %arg12: memref<8x1536xf32, #tpu.memory_space<hbm>>, %arg13: memref<8x1536xf32, #tpu.memory_space<hbm>>, %arg14: memref<8x1536xf32, #tpu.memory_space<hbm>>, %arg15: memref<5120xf32, #tpu.memory_space<vmem>>, %arg16: memref<5120xf32, #tpu.memory_space<vmem>>, %arg17: memref<5120xf32, #tpu.memory_space<vmem>>, %arg18: memref<5120xf32, #tpu.memory_space<vmem>>, %arg19: memref<5120xf32, #tpu.memory_space<vmem>>, %arg20: memref<5120xf32, #tpu.memory_space<vmem>>, %arg21: memref<400xf32, #tpu.memory_space<vmem>>, %arg22: memref<400xf32, #tpu.memory_space<vmem>>, %arg23: memref<400xf32, #tpu.memory_space<vmem>>, %arg24: memref<400xf32, #tpu.memory_space<vmem>>, %arg25: memref<400xf32, #tpu.memory_space<vmem>>, %arg26: memref<400xf32, #tpu.memory_space<vmem>>, %arg27: memref<64xf32, #tpu.memory_space<vmem>>, %arg28: memref<!tpu.dma_semaphore, #tpu.memory_space<semaphore_mem>>) attributes {dimension_semantics = [#tpu.dimension_semantics<core_parallel>, #tpu.dimension_semantics<subcore_parallel>], iteration_bounds = array<i64: 2, 16>, scalar_prefetch = 0 : i64, scratch_operands = 14 : i64, tpu.core_type = #tpu.core_type<sc_vector_subcore>, window_params = [{transform_indices = #map}, {transform_indices = #map}, {transform_indices = #map}, {transform_indices = #map}, {transform_indices = #map}, {transform_indices = #map}, {transform_indices = #map}, {transform_indices = #map}, {transform_indices = #map}, {transform_indices = #map}, {transform_indices = #map}, {transform_indices = #map}, {transform_indices = #map}]} {
    %mul3A = arith.constant 4 : i32
    %mul3A_0 = arith.muli %arg0, %mul3A : i32
    %jit3A = arith.constant 4 : i32
    %div3A = arith.divsi %arg1, %jit3A : i32
    %sign3A = arith.constant 0 : i32
    %sign3A_1 = arith.cmpi sgt, %arg1, %sign3A : i32
    %sign3A_2 = arith.extui %sign3A_1 : i1 to i32
    %sign3A_3 = arith.constant 0 : i32
    %sign3A_4 = arith.cmpi slt, %arg1, %sign3A_3 : i32
    %sign3A_5 = arith.extui %sign3A_4 : i1 to i32
    %sign3A_6 = arith.subi %sign3A_2, %sign3A_5 : i32
    %sign3A_7 = arith.constant 0 : i32
    %sign3A_8 = arith.cmpi sgt, %jit3A, %sign3A_7 : i32
    %sign3A_9 = arith.extui %sign3A_8 : i1 to i32
    %sign3A_10 = arith.constant 0 : i32
    %sign3A_11 = arith.cmpi slt, %jit3A, %sign3A_10 : i32
    %sign3A_12 = arith.extui %sign3A_11 : i1 to i32
    %sign3A_13 = arith.subi %sign3A_9, %sign3A_12 : i32
    %ne3A = arith.cmpi ne, %sign3A_6, %sign3A_13 : i32
    %rem3A = arith.remsi %arg1, %jit3A : i32
    %ne3A_14 = arith.constant 0 : i32
    %ne3A_15 = arith.cmpi ne, %rem3A, %ne3A_14 : i32
    %and3A = arith.andi %ne3A, %ne3A_15 : i1
    %sub3A = arith.constant 1 : i32
    %sub3A_16 = arith.subi %div3A, %sub3A : i32
    %select_n3A = arith.select %and3A, %sub3A_16, %div3A : i32
    %add3A = arith.addi %mul3A_0, %select_n3A : i32
    %jit3A_17 = arith.constant 4 : i32
    %eq3A = arith.constant 0 : i32
    %eq3A_18 = arith.cmpi eq, %jit3A_17, %eq3A : i32
    %jit3A_19 = arith.constant 1 : i32
    %select_n3A_20 = arith.select %eq3A_18, %jit3A_19, %jit3A_17 : i32
    %rem3A_21 = arith.remsi %arg1, %select_n3A_20 : i32
    %ne3A_22 = arith.constant 0 : i32
    %ne3A_23 = arith.cmpi ne, %rem3A_21, %ne3A_22 : i32
    %lt3A = arith.constant 0 : i32
    %lt3A_24 = arith.cmpi slt, %rem3A_21, %lt3A : i32
    %lt3A_25 = arith.constant 0 : i32
    %lt3A_26 = arith.cmpi slt, %select_n3A_20, %lt3A_25 : i32
    %ne3A_27 = arith.xori %lt3A_24, %lt3A_26 : i1
    %and3A_28 = arith.andi %ne3A_27, %ne3A_23 : i1
    %add3A_29 = arith.addi %rem3A_21, %select_n3A_20 : i32
    %select_n3A_30 = arith.select %and3A_28, %add3A_29, %rem3A_21 : i32
    %mul3A_31 = arith.constant 5120 : i32
    %mul3A_32 = arith.muli %select_n3A_30, %mul3A_31 : i32
    %iota3A = tpu.iota {dimensions = array<i32: 0>} : vector<16xi32>
    %dma_start3A = tpu.memref_slice %arg2[%add3A, %mul3A_32] : memref<8x20480xf32, #tpu.memory_space<hbm>> -> memref<1x5120xf32, #tpu.memory_space<hbm>>
    %dma_start3A_33 = tpu.memref_squeeze %dma_start3A : memref<1x5120xf32, #tpu.memory_space<hbm>> -> memref<5120xf32, #tpu.memory_space<hbm>>
    %dma_start3A_34 = tpu.memref_slice %arg2[%add3A, %mul3A_32] : memref<8x20480xf32, #tpu.memory_space<hbm>> -> memref<1x5120xf32, #tpu.memory_space<hbm>>
    %dma_start3A_35 = tpu.memref_squeeze %dma_start3A_34 : memref<1x5120xf32, #tpu.memory_space<hbm>> -> memref<5120xf32, #tpu.memory_space<hbm>>
    tpu.enqueue_dma source(%dma_start3A_35 : memref<5120xf32, #tpu.memory_space<hbm>>) target(%arg15 : memref<5120xf32, #tpu.memory_space<vmem>>) target_semaphore(%arg28 : memref<!tpu.dma_semaphore, #tpu.memory_space<semaphore_mem>>)
    %dma_start3A_36 = tpu.memref_slice %arg3[%add3A, %mul3A_32] : memref<8x20480xf32, #tpu.memory_space<hbm>> -> memref<1x5120xf32, #tpu.memory_space<hbm>>
    %dma_start3A_37 = tpu.memref_squeeze %dma_start3A_36 : memref<1x5120xf32, #tpu.memory_space<hbm>> -> memref<5120xf32, #tpu.memory_space<hbm>>
    %dma_start3A_38 = tpu.memref_slice %arg3[%add3A, %mul3A_32] : memref<8x20480xf32, #tpu.memory_space<hbm>> -> memref<1x5120xf32, #tpu.memory_space<hbm>>
    %dma_start3A_39 = tpu.memref_squeeze %dma_start3A_38 : memref<1x5120xf32, #tpu.memory_space<hbm>> -> memref<5120xf32, #tpu.memory_space<hbm>>
    tpu.enqueue_dma source(%dma_start3A_39 : memref<5120xf32, #tpu.memory_space<hbm>>) target(%arg16 : memref<5120xf32, #tpu.memory_space<vmem>>) target_semaphore(%arg28 : memref<!tpu.dma_semaphore, #tpu.memory_space<semaphore_mem>>)
    %dma_start3A_40 = tpu.memref_slice %arg4[%add3A, %mul3A_32] : memref<8x20480xf32, #tpu.memory_space<hbm>> -> memref<1x5120xf32, #tpu.memory_space<hbm>>
    %dma_start3A_41 = tpu.memref_squeeze %dma_start3A_40 : memref<1x5120xf32, #tpu.memory_space<hbm>> -> memref<5120xf32, #tpu.memory_space<hbm>>
    %dma_start3A_42 = tpu.memref_slice %arg4[%add3A, %mul3A_32] : memref<8x20480xf32, #tpu.memory_space<hbm>> -> memref<1x5120xf32, #tpu.memory_space<hbm>>
    %dma_start3A_43 = tpu.memref_squeeze %dma_start3A_42 : memref<1x5120xf32, #tpu.memory_space<hbm>> -> memref<5120xf32, #tpu.memory_space<hbm>>
    tpu.enqueue_dma source(%dma_start3A_43 : memref<5120xf32, #tpu.memory_space<hbm>>) target(%arg17 : memref<5120xf32, #tpu.memory_space<vmem>>) target_semaphore(%arg28 : memref<!tpu.dma_semaphore, #tpu.memory_space<semaphore_mem>>)
    %dma_start3A_44 = tpu.memref_slice %arg5[%add3A, %mul3A_32] : memref<8x20480xf32, #tpu.memory_space<hbm>> -> memref<1x5120xf32, #tpu.memory_space<hbm>>
    %dma_start3A_45 = tpu.memref_squeeze %dma_start3A_44 : memref<1x5120xf32, #tpu.memory_space<hbm>> -> memref<5120xf32, #tpu.memory_space<hbm>>
    %dma_start3A_46 = tpu.memref_slice %arg5[%add3A, %mul3A_32] : memref<8x20480xf32, #tpu.memory_space<hbm>> -> memref<1x5120xf32, #tpu.memory_space<hbm>>
    %dma_start3A_47 = tpu.memref_squeeze %dma_start3A_46 : memref<1x5120xf32, #tpu.memory_space<hbm>> -> memref<5120xf32, #tpu.memory_space<hbm>>
    tpu.enqueue_dma source(%dma_start3A_47 : memref<5120xf32, #tpu.memory_space<hbm>>) target(%arg18 : memref<5120xf32, #tpu.memory_space<vmem>>) target_semaphore(%arg28 : memref<!tpu.dma_semaphore, #tpu.memory_space<semaphore_mem>>)
    %dma_start3A_48 = tpu.memref_slice %arg6[%add3A, %mul3A_32] : memref<8x20480xf32, #tpu.memory_space<hbm>> -> memref<1x5120xf32, #tpu.memory_space<hbm>>
    %dma_start3A_49 = tpu.memref_squeeze %dma_start3A_48 : memref<1x5120xf32, #tpu.memory_space<hbm>> -> memref<5120xf32, #tpu.memory_space<hbm>>
    %dma_start3A_50 = tpu.memref_slice %arg6[%add3A, %mul3A_32] : memref<8x20480xf32, #tpu.memory_space<hbm>> -> memref<1x5120xf32, #tpu.memory_space<hbm>>
    %dma_start3A_51 = tpu.memref_squeeze %dma_start3A_50 : memref<1x5120xf32, #tpu.memory_space<hbm>> -> memref<5120xf32, #tpu.memory_space<hbm>>
    tpu.enqueue_dma source(%dma_start3A_51 : memref<5120xf32, #tpu.memory_space<hbm>>) target(%arg19 : memref<5120xf32, #tpu.memory_space<vmem>>) target_semaphore(%arg28 : memref<!tpu.dma_semaphore, #tpu.memory_space<semaphore_mem>>)
    %dma_start3A_52 = tpu.memref_slice %arg7[%add3A, %mul3A_32] : memref<8x20480xf32, #tpu.memory_space<hbm>> -> memref<1x5120xf32, #tpu.memory_space<hbm>>
    %dma_start3A_53 = tpu.memref_squeeze %dma_start3A_52 : memref<1x5120xf32, #tpu.memory_space<hbm>> -> memref<5120xf32, #tpu.memory_space<hbm>>
    %dma_start3A_54 = tpu.memref_slice %arg7[%add3A, %mul3A_32] : memref<8x20480xf32, #tpu.memory_space<hbm>> -> memref<1x5120xf32, #tpu.memory_space<hbm>>
    %dma_start3A_55 = tpu.memref_squeeze %dma_start3A_54 : memref<1x5120xf32, #tpu.memory_space<hbm>> -> memref<5120xf32, #tpu.memory_space<hbm>>
    tpu.enqueue_dma source(%dma_start3A_55 : memref<5120xf32, #tpu.memory_space<hbm>>) target(%arg20 : memref<5120xf32, #tpu.memory_space<vmem>>) target_semaphore(%arg28 : memref<!tpu.dma_semaphore, #tpu.memory_space<semaphore_mem>>)
    %dma_start3A_56 = arith.constant 0 : i32
    %dma_start3A_57 = tpu.memref_slice %arg8[%add3A, %dma_start3A_56] : memref<8x64xf32, #tpu.memory_space<hbm>> -> memref<1x64xf32, #tpu.memory_space<hbm>>
    %dma_start3A_58 = tpu.memref_squeeze %dma_start3A_57 : memref<1x64xf32, #tpu.memory_space<hbm>> -> memref<64xf32, #tpu.memory_space<hbm>>
    %dma_start3A_59 = arith.constant 0 : i32
    %dma_start3A_60 = tpu.memref_slice %arg8[%add3A, %dma_start3A_59] : memref<8x64xf32, #tpu.memory_space<hbm>> -> memref<1x64xf32, #tpu.memory_space<hbm>>
    %dma_start3A_61 = tpu.memref_squeeze %dma_start3A_60 : memref<1x64xf32, #tpu.memory_space<hbm>> -> memref<64xf32, #tpu.memory_space<hbm>>
    tpu.enqueue_dma source(%dma_start3A_61 : memref<64xf32, #tpu.memory_space<hbm>>) target(%arg27 : memref<64xf32, #tpu.memory_space<vmem>>) target_semaphore(%arg28 : memref<!tpu.dma_semaphore, #tpu.memory_space<semaphore_mem>>)
    %dma_wait3A = tpu.memref_slice %arg2[%add3A, %mul3A_32] : memref<8x20480xf32, #tpu.memory_space<hbm>> -> memref<1x5120xf32, #tpu.memory_space<hbm>>
    %dma_wait3A_62 = tpu.memref_squeeze %dma_wait3A : memref<1x5120xf32, #tpu.memory_space<hbm>> -> memref<5120xf32, #tpu.memory_space<hbm>>
    %dma_wait3A_63 = tpu.memref_slice %arg2[%add3A, %mul3A_32] : memref<8x20480xf32, #tpu.memory_space<hbm>> -> memref<1x5120xf32, #tpu.memory_space<hbm>>
    %dma_wait3A_64 = tpu.memref_squeeze %dma_wait3A_63 : memref<1x5120xf32, #tpu.memory_space<hbm>> -> memref<5120xf32, #tpu.memory_space<hbm>>
    tpu.wait_dma2 semaphore(%arg28 : memref<!tpu.dma_semaphore, #tpu.memory_space<semaphore_mem>>) src(%dma_wait3A_64 : memref<5120xf32, #tpu.memory_space<hbm>>) dst(%arg15 : memref<5120xf32, #tpu.memory_space<vmem>>)
    %dma_wait3A_65 = tpu.memref_slice %arg3[%add3A, %mul3A_32] : memref<8x20480xf32, #tpu.memory_space<hbm>> -> memref<1x5120xf32, #tpu.memory_space<hbm>>
    %dma_wait3A_66 = tpu.memref_squeeze %dma_wait3A_65 : memref<1x5120xf32, #tpu.memory_space<hbm>> -> memref<5120xf32, #tpu.memory_space<hbm>>
    %dma_wait3A_67 = tpu.memref_slice %arg3[%add3A, %mul3A_32] : memref<8x20480xf32, #tpu.memory_space<hbm>> -> memref<1x5120xf32, #tpu.memory_space<hbm>>
    %dma_wait3A_68 = tpu.memref_squeeze %dma_wait3A_67 : memref<1x5120xf32, #tpu.memory_space<hbm>> -> memref<5120xf32, #tpu.memory_space<hbm>>
    tpu.wait_dma2 semaphore(%arg28 : memref<!tpu.dma_semaphore, #tpu.memory_space<semaphore_mem>>) src(%dma_wait3A_68 : memref<5120xf32, #tpu.memory_space<hbm>>) dst(%arg16 : memref<5120xf32, #tpu.memory_space<vmem>>)
    %dma_wait3A_69 = tpu.memref_slice %arg4[%add3A, %mul3A_32] : memref<8x20480xf32, #tpu.memory_space<hbm>> -> memref<1x5120xf32, #tpu.memory_space<hbm>>
    %dma_wait3A_70 = tpu.memref_squeeze %dma_wait3A_69 : memref<1x5120xf32, #tpu.memory_space<hbm>> -> memref<5120xf32, #tpu.memory_space<hbm>>
    %dma_wait3A_71 = tpu.memref_slice %arg4[%add3A, %mul3A_32] : memref<8x20480xf32, #tpu.memory_space<hbm>> -> memref<1x5120xf32, #tpu.memory_space<hbm>>
    %dma_wait3A_72 = tpu.memref_squeeze %dma_wait3A_71 : memref<1x5120xf32, #tpu.memory_space<hbm>> -> memref<5120xf32, #tpu.memory_space<hbm>>
    tpu.wait_dma2 semaphore(%arg28 : memref<!tpu.dma_semaphore, #tpu.memory_space<semaphore_mem>>) src(%dma_wait3A_72 : memref<5120xf32, #tpu.memory_space<hbm>>) dst(%arg17 : memref<5120xf32, #tpu.memory_space<vmem>>)
    %dma_wait3A_73 = tpu.memref_slice %arg5[%add3A, %mul3A_32] : memref<8x20480xf32, #tpu.memory_space<hbm>> -> memref<1x5120xf32, #tpu.memory_space<hbm>>
    %dma_wait3A_74 = tpu.memref_squeeze %dma_wait3A_73 : memref<1x5120xf32, #tpu.memory_space<hbm>> -> memref<5120xf32, #tpu.memory_space<hbm>>
    %dma_wait3A_75 = tpu.memref_slice %arg5[%add3A, %mul3A_32] : memref<8x20480xf32, #tpu.memory_space<hbm>> -> memref<1x5120xf32, #tpu.memory_space<hbm>>
    %dma_wait3A_76 = tpu.memref_squeeze %dma_wait3A_75 : memref<1x5120xf32, #tpu.memory_space<hbm>> -> memref<5120xf32, #tpu.memory_space<hbm>>
    tpu.wait_dma2 semaphore(%arg28 : memref<!tpu.dma_semaphore, #tpu.memory_space<semaphore_mem>>) src(%dma_wait3A_76 : memref<5120xf32, #tpu.memory_space<hbm>>) dst(%arg18 : memref<5120xf32, #tpu.memory_space<vmem>>)
    %dma_wait3A_77 = tpu.memref_slice %arg6[%add3A, %mul3A_32] : memref<8x20480xf32, #tpu.memory_space<hbm>> -> memref<1x5120xf32, #tpu.memory_space<hbm>>
    %dma_wait3A_78 = tpu.memref_squeeze %dma_wait3A_77 : memref<1x5120xf32, #tpu.memory_space<hbm>> -> memref<5120xf32, #tpu.memory_space<hbm>>
    %dma_wait3A_79 = tpu.memref_slice %arg6[%add3A, %mul3A_32] : memref<8x20480xf32, #tpu.memory_space<hbm>> -> memref<1x5120xf32, #tpu.memory_space<hbm>>
    %dma_wait3A_80 = tpu.memref_squeeze %dma_wait3A_79 : memref<1x5120xf32, #tpu.memory_space<hbm>> -> memref<5120xf32, #tpu.memory_space<hbm>>
    tpu.wait_dma2 semaphore(%arg28 : memref<!tpu.dma_semaphore, #tpu.memory_space<semaphore_mem>>) src(%dma_wait3A_80 : memref<5120xf32, #tpu.memory_space<hbm>>) dst(%arg19 : memref<5120xf32, #tpu.memory_space<vmem>>)
    %dma_wait3A_81 = tpu.memref_slice %arg7[%add3A, %mul3A_32] : memref<8x20480xf32, #tpu.memory_space<hbm>> -> memref<1x5120xf32, #tpu.memory_space<hbm>>
    %dma_wait3A_82 = tpu.memref_squeeze %dma_wait3A_81 : memref<1x5120xf32, #tpu.memory_space<hbm>> -> memref<5120xf32, #tpu.memory_space<hbm>>
    %dma_wait3A_83 = tpu.memref_slice %arg7[%add3A, %mul3A_32] : memref<8x20480xf32, #tpu.memory_space<hbm>> -> memref<1x5120xf32, #tpu.memory_space<hbm>>
    %dma_wait3A_84 = tpu.memref_squeeze %dma_wait3A_83 : memref<1x5120xf32, #tpu.memory_space<hbm>> -> memref<5120xf32, #tpu.memory_space<hbm>>
    tpu.wait_dma2 semaphore(%arg28 : memref<!tpu.dma_semaphore, #tpu.memory_space<semaphore_mem>>) src(%dma_wait3A_84 : memref<5120xf32, #tpu.memory_space<hbm>>) dst(%arg20 : memref<5120xf32, #tpu.memory_space<vmem>>)
    %dma_wait3A_85 = arith.constant 0 : i32
    %dma_wait3A_86 = tpu.memref_slice %arg8[%add3A, %dma_wait3A_85] : memref<8x64xf32, #tpu.memory_space<hbm>> -> memref<1x64xf32, #tpu.memory_space<hbm>>
    %dma_wait3A_87 = tpu.memref_squeeze %dma_wait3A_86 : memref<1x64xf32, #tpu.memory_space<hbm>> -> memref<64xf32, #tpu.memory_space<hbm>>
    %dma_wait3A_88 = arith.constant 0 : i32
    %dma_wait3A_89 = tpu.memref_slice %arg8[%add3A, %dma_wait3A_88] : memref<8x64xf32, #tpu.memory_space<hbm>> -> memref<1x64xf32, #tpu.memory_space<hbm>>
    %dma_wait3A_90 = tpu.memref_squeeze %dma_wait3A_89 : memref<1x64xf32, #tpu.memory_space<hbm>> -> memref<64xf32, #tpu.memory_space<hbm>>
    tpu.wait_dma2 semaphore(%arg28 : memref<!tpu.dma_semaphore, #tpu.memory_space<semaphore_mem>>) src(%dma_wait3A_90 : memref<64xf32, #tpu.memory_space<hbm>>) dst(%arg27 : memref<64xf32, #tpu.memory_space<vmem>>)
    %scan3A = arith.constant -1 : i32
    %scan3A_91 = arith.constant 0.000000e+00 : f32
    %scan3A_92 = arith.constant 0 : i32
    %scan3A_93 = arith.constant 4 : i32
    %scan3A_94 = arith.addi %scan3A_92, %scan3A_93 : i32
    %scan3A_95 = arith.constant 1 : i32
    %scan3A_96:2 = scf.for %scan3A_114 = %scan3A_92 to %scan3A_94 step %scan3A_95 iter_args(%scan3A_115 = %scan3A, %scan3A_116 = %scan3A_91) -> (i32, f32)  : i32 {
      %mul3A_117 = arith.constant 16 : i32
      %mul3A_118 = arith.muli %scan3A_114, %mul3A_117 : i32
      %get3A = arith.index_cast %mul3A_118 : i32 to index
      %get3A_119 = tpu.vector_load %arg27[%get3A] {strides = array<i32>} : memref<64xf32, #tpu.memory_space<vmem>>, vector<16xf32>,
      %broadcast_in_dim3A = arith.constant true
      %broadcast_in_dim3A_120 = vector.broadcast %broadcast_in_dim3A : i1 to vector<16xi1>
      %masked_cumsum3A = tpu.scan <sum>, %get3A_119 masked %broadcast_in_dim3A_120 : vector<16xf32>, vector<16xi1> -> vector<16xf32>
      %add3A_121 = vector.broadcast %scan3A_116 : f32 to vector<16xf32>
      %add3A_122 = arith.addf %masked_cumsum3A, %add3A_121 : vector<16xf32>
      %ge3A = arith.constant 1.152000e+03 : f32
      %ge3A_123 = vector.broadcast %ge3A : f32 to vector<16xf32>
      %ge3A_124 = arith.cmpf oge, %add3A_122, %ge3A_123 : vector<16xf32>
      %mul3A_125 = arith.constant 16 : i32
      %mul3A_126 = arith.muli %scan3A_114, %mul3A_125 : i32
      %add3A_127 = vector.broadcast %mul3A_126 : i32 to vector<16xi32>
      %add3A_128 = arith.addi %add3A_127, %iota3A : vector<16xi32>
      %sub3A_129 = arith.constant 63 : i32
      %sub3A_130 = vector.broadcast %sub3A_129 : i32 to vector<16xi32>
      %sub3A_131 = arith.subi %sub3A_130, %add3A_128 : vector<16xi32>
      %jit3A_132 = arith.constant -1 : i32
      %broadcast_in_dim3A_133 = vector.broadcast %jit3A_132 : i32 to vector<16xi32>
      %select_n3A_134 = arith.select %ge3A_124, %sub3A_131, %broadcast_in_dim3A_133 : vector<16xi1>, vector<16xi32>
      %reduce_max3A = arith.constant true
      %reduce_max3A_135 = vector.broadcast %reduce_max3A : i1 to vector<16xi1>
      %reduce_max3A_136 = arith.constant -2147483648 : i32
      %reduce_max3A_137 = vector.broadcast %reduce_max3A_136 : i32 to vector<16xi32>
      %reduce_max3A_138 = arith.xori %select_n3A_134, %reduce_max3A_137 : vector<16xi32>
      %reduce_max3A_139 = tpu.scan <max>, %reduce_max3A_138 masked %reduce_max3A_135 : vector<16xi32>, vector<16xi1> -> vector<16xi32>
      %reduce_max3A_140 = arith.xori %reduce_max3A_139, %reduce_max3A_137 : vector<16xi32>
      %reduce_max3A_141 = vector.extract %reduce_max3A_140[15] : i32 from vector<16xi32>
      %max3A = arith.maxsi %scan3A_115, %reduce_max3A_141 : i32
      %reduce_sum3A = arith.constant true
      %reduce_sum3A_142 = vector.broadcast %reduce_sum3A : i1 to vector<16xi1>
      %reduce_sum3A_143 = tpu.scan <sum>, %get3A_119 masked %reduce_sum3A_142 : vector<16xf32>, vector<16xi1> -> vector<16xf32>
      %reduce_sum3A_144 = vector.extract %reduce_sum3A_143[15] : f32 from vector<16xf32>
      %add3A_145 = arith.addf %scan3A_116, %reduce_sum3A_144 : f32
      scf.yield %max3A, %add3A_145 : i32, f32
    }
    %scan3A_97 = arith.constant 4 : i32
    %scan3A_98 = arith.constant 0 : i32
    %scan3A_99 = arith.constant 0 : i32
    %scan3A_100 = arith.constant 25 : i32
    %scan3A_101 = arith.addi %scan3A_99, %scan3A_100 : i32
    %scan3A_102 = arith.constant 1 : i32
    %scan3A_103 = scf.for %scan3A_114 = %scan3A_99 to %scan3A_101 step %scan3A_102 iter_args(%scan3A_115 = %scan3A_98) -> (i32)  : i32 {
      %mul3A_116 = arith.constant 16 : i32
      %mul3A_117 = arith.muli %scan3A_114, %mul3A_116 : i32
      %broadcast_in_dim3A = arith.constant -1.000000e+00 : f32
      %broadcast_in_dim3A_118 = vector.broadcast %broadcast_in_dim3A : f32 to vector<16xf32>
      %swap3A = arith.index_cast %mul3A_117 : i32 to index
      %swap3A_119 = tpu.vector_load %arg21[%swap3A] {strides = array<i32>} : memref<400xf32, #tpu.memory_space<vmem>>, vector<16xf32>,
      tpu.vector_store %arg21[%swap3A], %broadcast_in_dim3A_118 {strides = array<i32>} : memref<400xf32, #tpu.memory_space<vmem>>, vector<16xf32>,
      %broadcast_in_dim3A_120 = arith.constant 0.000000e+00 : f32
      %broadcast_in_dim3A_121 = vector.broadcast %broadcast_in_dim3A_120 : f32 to vector<16xf32>
      %swap3A_122 = arith.index_cast %mul3A_117 : i32 to index
      %swap3A_123 = tpu.vector_load %arg22[%swap3A_122] {strides = array<i32>} : memref<400xf32, #tpu.memory_space<vmem>>, vector<16xf32>,
      tpu.vector_store %arg22[%swap3A_122], %broadcast_in_dim3A_121 {strides = array<i32>} : memref<400xf32, #tpu.memory_space<vmem>>, vector<16xf32>,
      %swap3A_124 = arith.index_cast %mul3A_117 : i32 to index
      %swap3A_125 = tpu.vector_load %arg23[%swap3A_124] {strides = array<i32>} : memref<400xf32, #tpu.memory_space<vmem>>, vector<16xf32>,
      tpu.vector_store %arg23[%swap3A_124], %broadcast_in_dim3A_121 {strides = array<i32>} : memref<400xf32, #tpu.memory_space<vmem>>, vector<16xf32>,
      %swap3A_126 = arith.index_cast %mul3A_117 : i32 to index
      %swap3A_127 = tpu.vector_load %arg24[%swap3A_126] {strides = array<i32>} : memref<400xf32, #tpu.memory_space<vmem>>, vector<16xf32>,
      tpu.vector_store %arg24[%swap3A_126], %broadcast_in_dim3A_121 {strides = array<i32>} : memref<400xf32, #tpu.memory_space<vmem>>, vector<16xf32>,
      %swap3A_128 = arith.index_cast %mul3A_117 : i32 to index
      %swap3A_129 = tpu.vector_load %arg25[%swap3A_128] {strides = array<i32>} : memref<400xf32, #tpu.memory_space<vmem>>, vector<16xf32>,
      tpu.vector_store %arg25[%swap3A_128], %broadcast_in_dim3A_121 {strides = array<i32>} : memref<400xf32, #tpu.memory_space<vmem>>, vector<16xf32>,
      %swap3A_130 = arith.index_cast %mul3A_117 : i32 to index
      %swap3A_131 = tpu.vector_load %arg26[%swap3A_130] {strides = array<i32>} : memref<400xf32, #tpu.memory_space<vmem>>, vector<16xf32>,
      tpu.vector_store %arg26[%swap3A_130], %broadcast_in_dim3A_121 {strides = array<i32>} : memref<400xf32, #tpu.memory_space<vmem>>, vector<16xf32>,
      %scan3A_132 = arith.constant 0 : i32
      scf.yield %scan3A_132 : i32
    }
    %scan3A_104 = arith.constant 25 : i32
    %scan3A_105 = arith.constant 0 : i32
    %scan3A_106 = arith.constant 0 : i32
    %scan3A_107 = arith.constant 320 : i32
    %scan3A_108 = arith.addi %scan3A_106, %scan3A_107 : i32
    %scan3A_109 = arith.constant 1 : i32
    %scan3A_110 = scf.for %scan3A_114 = %scan3A_106 to %scan3A_108 step %scan3A_109 iter_args(%scan3A_115 = %scan3A_105) -> (i32)  : i32 {
      %mul3A_116 = arith.constant 16 : i32
      %mul3A_117 = arith.muli %scan3A_114, %mul3A_116 : i32
      %get3A = arith.index_cast %mul3A_117 : i32 to index
      %get3A_118 = tpu.vector_load %arg15[%get3A] {strides = array<i32>} : memref<5120xf32, #tpu.memory_space<vmem>>, vector<16xf32>,
      %sub3A_119 = arith.constant 6.000000e-01 : f32
      %sub3A_120 = vector.broadcast %sub3A_119 : f32 to vector<16xf32>
      %sub3A_121 = arith.subf %get3A_118, %sub3A_120 : vector<16xf32>
      %mul3A_122 = arith.constant 1.600000e+02 : f32
      %mul3A_123 = vector.broadcast %mul3A_122 : f32 to vector<16xf32>
      %mul3A_124 = arith.mulf %sub3A_121, %mul3A_123 : vector<16xf32>
      %convert_element_type3A = arith.fptosi %mul3A_124 : vector<16xf32> to vector<16xi32>
      %ge3A = vector.broadcast %scan3A_96#0 : i32 to vector<16xi32>
      %ge3A_125 = arith.cmpi sge, %convert_element_type3A, %ge3A : vector<16xi32>
      %min3A = arith.constant 384 : i32
      %min3A_126 = arith.minsi %scan3A_115, %min3A : i32
      %swap3A = arith.index_cast %min3A_126 : i32 to index
      %swap3A_127 = tpu.vector_load %arg21[%swap3A] masked %ge3A_125 {strides = array<i32>} : memref<400xf32, #tpu.memory_space<vmem>>, vector<16xf32>, vector<16xi1>
      tpu.vector_store %arg21[%swap3A], %get3A_118 masked %ge3A_125 {strides = array<i32>} : memref<400xf32, #tpu.memory_space<vmem>>, vector<16xf32>, vector<16xi1>
      %mul3A_128 = arith.constant 16 : i32
      %mul3A_129 = arith.muli %scan3A_114, %mul3A_128 : i32
      %get3A_130 = arith.index_cast %mul3A_129 : i32 to index
      %get3A_131 = tpu.vector_load %arg16[%get3A_130] {strides = array<i32>} : memref<5120xf32, #tpu.memory_space<vmem>>, vector<16xf32>,
      %swap3A_132 = arith.index_cast %min3A_126 : i32 to index
      %swap3A_133 = tpu.vector_load %arg22[%swap3A_132] masked %ge3A_125 {strides = array<i32>} : memref<400xf32, #tpu.memory_space<vmem>>, vector<16xf32>, vector<16xi1>
      tpu.vector_store %arg22[%swap3A_132], %get3A_131 masked %ge3A_125 {strides = array<i32>} : memref<400xf32, #tpu.memory_space<vmem>>, vector<16xf32>, vector<16xi1>
      %mul3A_134 = arith.constant 16 : i32
      %mul3A_135 = arith.muli %scan3A_114, %mul3A_134 : i32
      %get3A_136 = arith.index_cast %mul3A_135 : i32 to index
      %get3A_137 = tpu.vector_load %arg17[%get3A_136] {strides = array<i32>} : memref<5120xf32, #tpu.memory_space<vmem>>, vector<16xf32>,
      %swap3A_138 = arith.index_cast %min3A_126 : i32 to index
      %swap3A_139 = tpu.vector_load %arg23[%swap3A_138] masked %ge3A_125 {strides = array<i32>} : memref<400xf32, #tpu.memory_space<vmem>>, vector<16xf32>, vector<16xi1>
      tpu.vector_store %arg23[%swap3A_138], %get3A_137 masked %ge3A_125 {strides = array<i32>} : memref<400xf32, #tpu.memory_space<vmem>>, vector<16xf32>, vector<16xi1>
      %mul3A_140 = arith.constant 16 : i32
      %mul3A_141 = arith.muli %scan3A_114, %mul3A_140 : i32
      %get3A_142 = arith.index_cast %mul3A_141 : i32 to index
      %get3A_143 = tpu.vector_load %arg18[%get3A_142] {strides = array<i32>} : memref<5120xf32, #tpu.memory_space<vmem>>, vector<16xf32>,
      %swap3A_144 = arith.index_cast %min3A_126 : i32 to index
      %swap3A_145 = tpu.vector_load %arg24[%swap3A_144] masked %ge3A_125 {strides = array<i32>} : memref<400xf32, #tpu.memory_space<vmem>>, vector<16xf32>, vector<16xi1>
      tpu.vector_store %arg24[%swap3A_144], %get3A_143 masked %ge3A_125 {strides = array<i32>} : memref<400xf32, #tpu.memory_space<vmem>>, vector<16xf32>, vector<16xi1>
      %mul3A_146 = arith.constant 16 : i32
      %mul3A_147 = arith.muli %scan3A_114, %mul3A_146 : i32
      %get3A_148 = arith.index_cast %mul3A_147 : i32 to index
      %get3A_149 = tpu.vector_load %arg19[%get3A_148] {strides = array<i32>} : memref<5120xf32, #tpu.memory_space<vmem>>, vector<16xf32>,
      %swap3A_150 = arith.index_cast %min3A_126 : i32 to index
      %swap3A_151 = tpu.vector_load %arg25[%swap3A_150] masked %ge3A_125 {strides = array<i32>} : memref<400xf32, #tpu.memory_space<vmem>>, vector<16xf32>, vector<16xi1>
      tpu.vector_store %arg25[%swap3A_150], %get3A_149 masked %ge3A_125 {strides = array<i32>} : memref<400xf32, #tpu.memory_space<vmem>>, vector<16xf32>, vector<16xi1>
      %mul3A_152 = arith.constant 16 : i32
      %mul3A_153 = arith.muli %scan3A_114, %mul3A_152 : i32
      %get3A_154 = arith.index_cast %mul3A_153 : i32 to index
      %get3A_155 = tpu.vector_load %arg20[%get3A_154] {strides = array<i32>} : memref<5120xf32, #tpu.memory_space<vmem>>, vector<16xf32>,
      %swap3A_156 = arith.index_cast %min3A_126 : i32 to index
      %swap3A_157 = tpu.vector_load %arg26[%swap3A_156] masked %ge3A_125 {strides = array<i32>} : memref<400xf32, #tpu.memory_space<vmem>>, vector<16xf32>, vector<16xi1>
      tpu.vector_store %arg26[%swap3A_156], %get3A_155 masked %ge3A_125 {strides = array<i32>} : memref<400xf32, #tpu.memory_space<vmem>>, vector<16xf32>, vector<16xi1>
      %convert_element_type3A_158 = arith.extui %ge3A_125 : vector<16xi1> to vector<16xi32>
      %reduce_sum3A = arith.constant true
      %reduce_sum3A_159 = vector.broadcast %reduce_sum3A : i1 to vector<16xi1>
      %reduce_sum3A_160 = tpu.scan <sum>, %convert_element_type3A_158 masked %reduce_sum3A_159 : vector<16xi32>, vector<16xi1> -> vector<16xi32>
      %reduce_sum3A_161 = vector.extract %reduce_sum3A_160[15] : i32 from vector<16xi32>
      %add3A_162 = arith.addi %scan3A_115, %reduce_sum3A_161 : i32
      scf.yield %add3A_162 : i32
    }
    %scan3A_111 = arith.constant 320 : i32
    %mul3A_112 = arith.constant 384 : i32
    %mul3A_113 = arith.muli %select_n3A_30, %mul3A_112 : i32
    "tpu.region"() ({
      %run_scoped3A = tpu.sem_alloc : memref<!tpu.dma_semaphore, #tpu.memory_space<semaphore_mem>>
      %dma_start3A_114 = arith.constant 0 : i32
      %dma_start3A_115 = tpu.memref_slice %arg21[%dma_start3A_114] : memref<400xf32, #tpu.memory_space<vmem>> -> memref<384xf32, #tpu.memory_space<vmem>>
      %dma_start3A_116 = tpu.memref_slice %arg9[%add3A, %mul3A_113] : memref<8x1536xf32, #tpu.memory_space<hbm>> -> memref<1x384xf32, #tpu.memory_space<hbm>>
      %dma_start3A_117 = tpu.memref_squeeze %dma_start3A_116 : memref<1x384xf32, #tpu.memory_space<hbm>> -> memref<384xf32, #tpu.memory_space<hbm>>
      %dma_start3A_118 = tpu.memref_slice %arg9[%add3A, %mul3A_113] : memref<8x1536xf32, #tpu.memory_space<hbm>> -> memref<1x384xf32, #tpu.memory_space<hbm>>
      %dma_start3A_119 = tpu.memref_squeeze %dma_start3A_118 : memref<1x384xf32, #tpu.memory_space<hbm>> -> memref<384xf32, #tpu.memory_space<hbm>>
      %dma_start3A_120 = arith.constant 0 : i32
      %dma_start3A_121 = tpu.memref_slice %arg21[%dma_start3A_120] : memref<400xf32, #tpu.memory_space<vmem>> -> memref<384xf32, #tpu.memory_space<vmem>>
      tpu.enqueue_dma source(%dma_start3A_121 : memref<384xf32, #tpu.memory_space<vmem>>) target(%dma_start3A_119 : memref<384xf32, #tpu.memory_space<hbm>>) target_semaphore(%run_scoped3A : memref<!tpu.dma_semaphore, #tpu.memory_space<semaphore_mem>>)
      %dma_wait3A_122 = arith.constant 0 : i32
      %dma_wait3A_123 = tpu.memref_slice %arg21[%dma_wait3A_122] : memref<400xf32, #tpu.memory_space<vmem>> -> memref<384xf32, #tpu.memory_space<vmem>>
      %dma_wait3A_124 = tpu.memref_slice %arg9[%add3A, %mul3A_113] : memref<8x1536xf32, #tpu.memory_space<hbm>> -> memref<1x384xf32, #tpu.memory_space<hbm>>
      %dma_wait3A_125 = tpu.memref_squeeze %dma_wait3A_124 : memref<1x384xf32, #tpu.memory_space<hbm>> -> memref<384xf32, #tpu.memory_space<hbm>>
      %dma_wait3A_126 = tpu.memref_slice %arg9[%add3A, %mul3A_113] : memref<8x1536xf32, #tpu.memory_space<hbm>> -> memref<1x384xf32, #tpu.memory_space<hbm>>
      %dma_wait3A_127 = tpu.memref_squeeze %dma_wait3A_126 : memref<1x384xf32, #tpu.memory_space<hbm>> -> memref<384xf32, #tpu.memory_space<hbm>>
      %dma_wait3A_128 = arith.constant 0 : i32
      %dma_wait3A_129 = tpu.memref_slice %arg21[%dma_wait3A_128] : memref<400xf32, #tpu.memory_space<vmem>> -> memref<384xf32, #tpu.memory_space<vmem>>
      tpu.wait_dma2 semaphore(%run_scoped3A : memref<!tpu.dma_semaphore, #tpu.memory_space<semaphore_mem>>) src(%dma_wait3A_129 : memref<384xf32, #tpu.memory_space<vmem>>) dst(%dma_wait3A_127 : memref<384xf32, #tpu.memory_space<hbm>>)
      tpu.yield
    }) : () -> ()
    "tpu.region"() ({
      %run_scoped3A = tpu.sem_alloc : memref<!tpu.dma_semaphore, #tpu.memory_space<semaphore_mem>>
      %dma_start3A_114 = arith.constant 0 : i32
      %dma_start3A_115 = tpu.memref_slice %arg22[%dma_start3A_114] : memref<400xf32, #tpu.memory_space<vmem>> -> memref<384xf32, #tpu.memory_space<vmem>>
      %dma_start3A_116 = tpu.memref_slice %arg10[%add3A, %mul3A_113] : memref<8x1536xf32, #tpu.memory_space<hbm>> -> memref<1x384xf32, #tpu.memory_space<hbm>>
      %dma_start3A_117 = tpu.memref_squeeze %dma_start3A_116 : memref<1x384xf32, #tpu.memory_space<hbm>> -> memref<384xf32, #tpu.memory_space<hbm>>
      %dma_start3A_118 = tpu.memref_slice %arg10[%add3A, %mul3A_113] : memref<8x1536xf32, #tpu.memory_space<hbm>> -> memref<1x384xf32, #tpu.memory_space<hbm>>
      %dma_start3A_119 = tpu.memref_squeeze %dma_start3A_118 : memref<1x384xf32, #tpu.memory_space<hbm>> -> memref<384xf32, #tpu.memory_space<hbm>>
      %dma_start3A_120 = arith.constant 0 : i32
      %dma_start3A_121 = tpu.memref_slice %arg22[%dma_start3A_120] : memref<400xf32, #tpu.memory_space<vmem>> -> memref<384xf32, #tpu.memory_space<vmem>>
      tpu.enqueue_dma source(%dma_start3A_121 : memref<384xf32, #tpu.memory_space<vmem>>) target(%dma_start3A_119 : memref<384xf32, #tpu.memory_space<hbm>>) target_semaphore(%run_scoped3A : memref<!tpu.dma_semaphore, #tpu.memory_space<semaphore_mem>>)
      %dma_wait3A_122 = arith.constant 0 : i32
      %dma_wait3A_123 = tpu.memref_slice %arg22[%dma_wait3A_122] : memref<400xf32, #tpu.memory_space<vmem>> -> memref<384xf32, #tpu.memory_space<vmem>>
      %dma_wait3A_124 = tpu.memref_slice %arg10[%add3A, %mul3A_113] : memref<8x1536xf32, #tpu.memory_space<hbm>> -> memref<1x384xf32, #tpu.memory_space<hbm>>
      %dma_wait3A_125 = tpu.memref_squeeze %dma_wait3A_124 : memref<1x384xf32, #tpu.memory_space<hbm>> -> memref<384xf32, #tpu.memory_space<hbm>>
      %dma_wait3A_126 = tpu.memref_slice %arg10[%add3A, %mul3A_113] : memref<8x1536xf32, #tpu.memory_space<hbm>> -> memref<1x384xf32, #tpu.memory_space<hbm>>
      %dma_wait3A_127 = tpu.memref_squeeze %dma_wait3A_126 : memref<1x384xf32, #tpu.memory_space<hbm>> -> memref<384xf32, #tpu.memory_space<hbm>>
      %dma_wait3A_128 = arith.constant 0 : i32
      %dma_wait3A_129 = tpu.memref_slice %arg22[%dma_wait3A_128] : memref<400xf32, #tpu.memory_space<vmem>> -> memref<384xf32, #tpu.memory_space<vmem>>
      tpu.wait_dma2 semaphore(%run_scoped3A : memref<!tpu.dma_semaphore, #tpu.memory_space<semaphore_mem>>) src(%dma_wait3A_129 : memref<384xf32, #tpu.memory_space<vmem>>) dst(%dma_wait3A_127 : memref<384xf32, #tpu.memory_space<hbm>>)
      tpu.yield
    }) : () -> ()
    "tpu.region"() ({
      %run_scoped3A = tpu.sem_alloc : memref<!tpu.dma_semaphore, #tpu.memory_space<semaphore_mem>>
      %dma_start3A_114 = arith.constant 0 : i32
      %dma_start3A_115 = tpu.memref_slice %arg23[%dma_start3A_114] : memref<400xf32, #tpu.memory_space<vmem>> -> memref<384xf32, #tpu.memory_space<vmem>>
      %dma_start3A_116 = tpu.memref_slice %arg11[%add3A, %mul3A_113] : memref<8x1536xf32, #tpu.memory_space<hbm>> -> memref<1x384xf32, #tpu.memory_space<hbm>>
      %dma_start3A_117 = tpu.memref_squeeze %dma_start3A_116 : memref<1x384xf32, #tpu.memory_space<hbm>> -> memref<384xf32, #tpu.memory_space<hbm>>
      %dma_start3A_118 = tpu.memref_slice %arg11[%add3A, %mul3A_113] : memref<8x1536xf32, #tpu.memory_space<hbm>> -> memref<1x384xf32, #tpu.memory_space<hbm>>
      %dma_start3A_119 = tpu.memref_squeeze %dma_start3A_118 : memref<1x384xf32, #tpu.memory_space<hbm>> -> memref<384xf32, #tpu.memory_space<hbm>>
      %dma_start3A_120 = arith.constant 0 : i32
      %dma_start3A_121 = tpu.memref_slice %arg23[%dma_start3A_120] : memref<400xf32, #tpu.memory_space<vmem>> -> memref<384xf32, #tpu.memory_space<vmem>>
      tpu.enqueue_dma source(%dma_start3A_121 : memref<384xf32, #tpu.memory_space<vmem>>) target(%dma_start3A_119 : memref<384xf32, #tpu.memory_space<hbm>>) target_semaphore(%run_scoped3A : memref<!tpu.dma_semaphore, #tpu.memory_space<semaphore_mem>>)
      %dma_wait3A_122 = arith.constant 0 : i32
      %dma_wait3A_123 = tpu.memref_slice %arg23[%dma_wait3A_122] : memref<400xf32, #tpu.memory_space<vmem>> -> memref<384xf32, #tpu.memory_space<vmem>>
      %dma_wait3A_124 = tpu.memref_slice %arg11[%add3A, %mul3A_113] : memref<8x1536xf32, #tpu.memory_space<hbm>> -> memref<1x384xf32, #tpu.memory_space<hbm>>
      %dma_wait3A_125 = tpu.memref_squeeze %dma_wait3A_124 : memref<1x384xf32, #tpu.memory_space<hbm>> -> memref<384xf32, #tpu.memory_space<hbm>>
      %dma_wait3A_126 = tpu.memref_slice %arg11[%add3A, %mul3A_113] : memref<8x1536xf32, #tpu.memory_space<hbm>> -> memref<1x384xf32, #tpu.memory_space<hbm>>
      %dma_wait3A_127 = tpu.memref_squeeze %dma_wait3A_126 : memref<1x384xf32, #tpu.memory_space<hbm>> -> memref<384xf32, #tpu.memory_space<hbm>>
      %dma_wait3A_128 = arith.constant 0 : i32
      %dma_wait3A_129 = tpu.memref_slice %arg23[%dma_wait3A_128] : memref<400xf32, #tpu.memory_space<vmem>> -> memref<384xf32, #tpu.memory_space<vmem>>
      tpu.wait_dma2 semaphore(%run_scoped3A : memref<!tpu.dma_semaphore, #tpu.memory_space<semaphore_mem>>) src(%dma_wait3A_129 : memref<384xf32, #tpu.memory_space<vmem>>) dst(%dma_wait3A_127 : memref<384xf32, #tpu.memory_space<hbm>>)
      tpu.yield
    }) : () -> ()
    "tpu.region"() ({
      %run_scoped3A = tpu.sem_alloc : memref<!tpu.dma_semaphore, #tpu.memory_space<semaphore_mem>>
      %dma_start3A_114 = arith.constant 0 : i32
      %dma_start3A_115 = tpu.memref_slice %arg24[%dma_start3A_114] : memref<400xf32, #tpu.memory_space<vmem>> -> memref<384xf32, #tpu.memory_space<vmem>>
      %dma_start3A_116 = tpu.memref_slice %arg12[%add3A, %mul3A_113] : memref<8x1536xf32, #tpu.memory_space<hbm>> -> memref<1x384xf32, #tpu.memory_space<hbm>>
      %dma_start3A_117 = tpu.memref_squeeze %dma_start3A_116 : memref<1x384xf32, #tpu.memory_space<hbm>> -> memref<384xf32, #tpu.memory_space<hbm>>
      %dma_start3A_118 = tpu.memref_slice %arg12[%add3A, %mul3A_113] : memref<8x1536xf32, #tpu.memory_space<hbm>> -> memref<1x384xf32, #tpu.memory_space<hbm>>
      %dma_start3A_119 = tpu.memref_squeeze %dma_start3A_118 : memref<1x384xf32, #tpu.memory_space<hbm>> -> memref<384xf32, #tpu.memory_space<hbm>>
      %dma_start3A_120 = arith.constant 0 : i32
      %dma_start3A_121 = tpu.memref_slice %arg24[%dma_start3A_120] : memref<400xf32, #tpu.memory_space<vmem>> -> memref<384xf32, #tpu.memory_space<vmem>>
      tpu.enqueue_dma source(%dma_start3A_121 : memref<384xf32, #tpu.memory_space<vmem>>) target(%dma_start3A_119 : memref<384xf32, #tpu.memory_space<hbm>>) target_semaphore(%run_scoped3A : memref<!tpu.dma_semaphore, #tpu.memory_space<semaphore_mem>>)
      %dma_wait3A_122 = arith.constant 0 : i32
      %dma_wait3A_123 = tpu.memref_slice %arg24[%dma_wait3A_122] : memref<400xf32, #tpu.memory_space<vmem>> -> memref<384xf32, #tpu.memory_space<vmem>>
      %dma_wait3A_124 = tpu.memref_slice %arg12[%add3A, %mul3A_113] : memref<8x1536xf32, #tpu.memory_space<hbm>> -> memref<1x384xf32, #tpu.memory_space<hbm>>
      %dma_wait3A_125 = tpu.memref_squeeze %dma_wait3A_124 : memref<1x384xf32, #tpu.memory_space<hbm>> -> memref<384xf32, #tpu.memory_space<hbm>>
      %dma_wait3A_126 = tpu.memref_slice %arg12[%add3A, %mul3A_113] : memref<8x1536xf32, #tpu.memory_space<hbm>> -> memref<1x384xf32, #tpu.memory_space<hbm>>
      %dma_wait3A_127 = tpu.memref_squeeze %dma_wait3A_126 : memref<1x384xf32, #tpu.memory_space<hbm>> -> memref<384xf32, #tpu.memory_space<hbm>>
      %dma_wait3A_128 = arith.constant 0 : i32
      %dma_wait3A_129 = tpu.memref_slice %arg24[%dma_wait3A_128] : memref<400xf32, #tpu.memory_space<vmem>> -> memref<384xf32, #tpu.memory_space<vmem>>
      tpu.wait_dma2 semaphore(%run_scoped3A : memref<!tpu.dma_semaphore, #tpu.memory_space<semaphore_mem>>) src(%dma_wait3A_129 : memref<384xf32, #tpu.memory_space<vmem>>) dst(%dma_wait3A_127 : memref<384xf32, #tpu.memory_space<hbm>>)
      tpu.yield
    }) : () -> ()
    "tpu.region"() ({
      %run_scoped3A = tpu.sem_alloc : memref<!tpu.dma_semaphore, #tpu.memory_space<semaphore_mem>>
      %dma_start3A_114 = arith.constant 0 : i32
      %dma_start3A_115 = tpu.memref_slice %arg25[%dma_start3A_114] : memref<400xf32, #tpu.memory_space<vmem>> -> memref<384xf32, #tpu.memory_space<vmem>>
      %dma_start3A_116 = tpu.memref_slice %arg13[%add3A, %mul3A_113] : memref<8x1536xf32, #tpu.memory_space<hbm>> -> memref<1x384xf32, #tpu.memory_space<hbm>>
      %dma_start3A_117 = tpu.memref_squeeze %dma_start3A_116 : memref<1x384xf32, #tpu.memory_space<hbm>> -> memref<384xf32, #tpu.memory_space<hbm>>
      %dma_start3A_118 = tpu.memref_slice %arg13[%add3A, %mul3A_113] : memref<8x1536xf32, #tpu.memory_space<hbm>> -> memref<1x384xf32, #tpu.memory_space<hbm>>
      %dma_start3A_119 = tpu.memref_squeeze %dma_start3A_118 : memref<1x384xf32, #tpu.memory_space<hbm>> -> memref<384xf32, #tpu.memory_space<hbm>>
      %dma_start3A_120 = arith.constant 0 : i32
      %dma_start3A_121 = tpu.memref_slice %arg25[%dma_start3A_120] : memref<400xf32, #tpu.memory_space<vmem>> -> memref<384xf32, #tpu.memory_space<vmem>>
      tpu.enqueue_dma source(%dma_start3A_121 : memref<384xf32, #tpu.memory_space<vmem>>) target(%dma_start3A_119 : memref<384xf32, #tpu.memory_space<hbm>>) target_semaphore(%run_scoped3A : memref<!tpu.dma_semaphore, #tpu.memory_space<semaphore_mem>>)
      %dma_wait3A_122 = arith.constant 0 : i32
      %dma_wait3A_123 = tpu.memref_slice %arg25[%dma_wait3A_122] : memref<400xf32, #tpu.memory_space<vmem>> -> memref<384xf32, #tpu.memory_space<vmem>>
      %dma_wait3A_124 = tpu.memref_slice %arg13[%add3A, %mul3A_113] : memref<8x1536xf32, #tpu.memory_space<hbm>> -> memref<1x384xf32, #tpu.memory_space<hbm>>
      %dma_wait3A_125 = tpu.memref_squeeze %dma_wait3A_124 : memref<1x384xf32, #tpu.memory_space<hbm>> -> memref<384xf32, #tpu.memory_space<hbm>>
      %dma_wait3A_126 = tpu.memref_slice %arg13[%add3A, %mul3A_113] : memref<8x1536xf32, #tpu.memory_space<hbm>> -> memref<1x384xf32, #tpu.memory_space<hbm>>
      %dma_wait3A_127 = tpu.memref_squeeze %dma_wait3A_126 : memref<1x384xf32, #tpu.memory_space<hbm>> -> memref<384xf32, #tpu.memory_space<hbm>>
      %dma_wait3A_128 = arith.constant 0 : i32
      %dma_wait3A_129 = tpu.memref_slice %arg25[%dma_wait3A_128] : memref<400xf32, #tpu.memory_space<vmem>> -> memref<384xf32, #tpu.memory_space<vmem>>
      tpu.wait_dma2 semaphore(%run_scoped3A : memref<!tpu.dma_semaphore, #tpu.memory_space<semaphore_mem>>) src(%dma_wait3A_129 : memref<384xf32, #tpu.memory_space<vmem>>) dst(%dma_wait3A_127 : memref<384xf32, #tpu.memory_space<hbm>>)
      tpu.yield
    }) : () -> ()
    "tpu.region"() ({
      %run_scoped3A = tpu.sem_alloc : memref<!tpu.dma_semaphore, #tpu.memory_space<semaphore_mem>>
      %dma_start3A_114 = arith.constant 0 : i32
      %dma_start3A_115 = tpu.memref_slice %arg26[%dma_start3A_114] : memref<400xf32, #tpu.memory_space<vmem>> -> memref<384xf32, #tpu.memory_space<vmem>>
      %dma_start3A_116 = tpu.memref_slice %arg14[%add3A, %mul3A_113] : memref<8x1536xf32, #tpu.memory_space<hbm>> -> memref<1x384xf32, #tpu.memory_space<hbm>>
      %dma_start3A_117 = tpu.memref_squeeze %dma_start3A_116 : memref<1x384xf32, #tpu.memory_space<hbm>> -> memref<384xf32, #tpu.memory_space<hbm>>
      %dma_start3A_118 = tpu.memref_slice %arg14[%add3A, %mul3A_113] : memref<8x1536xf32, #tpu.memory_space<hbm>> -> memref<1x384xf32, #tpu.memory_space<hbm>>
      %dma_start3A_119 = tpu.memref_squeeze %dma_start3A_118 : memref<1x384xf32, #tpu.memory_space<hbm>> -> memref<384xf32, #tpu.memory_space<hbm>>
      %dma_start3A_120 = arith.constant 0 : i32
      %dma_start3A_121 = tpu.memref_slice %arg26[%dma_start3A_120] : memref<400xf32, #tpu.memory_space<vmem>> -> memref<384xf32, #tpu.memory_space<vmem>>
      tpu.enqueue_dma source(%dma_start3A_121 : memref<384xf32, #tpu.memory_space<vmem>>) target(%dma_start3A_119 : memref<384xf32, #tpu.memory_space<hbm>>) target_semaphore(%run_scoped3A : memref<!tpu.dma_semaphore, #tpu.memory_space<semaphore_mem>>)
      %dma_wait3A_122 = arith.constant 0 : i32
      %dma_wait3A_123 = tpu.memref_slice %arg26[%dma_wait3A_122] : memref<400xf32, #tpu.memory_space<vmem>> -> memref<384xf32, #tpu.memory_space<vmem>>
      %dma_wait3A_124 = tpu.memref_slice %arg14[%add3A, %mul3A_113] : memref<8x1536xf32, #tpu.memory_space<hbm>> -> memref<1x384xf32, #tpu.memory_space<hbm>>
      %dma_wait3A_125 = tpu.memref_squeeze %dma_wait3A_124 : memref<1x384xf32, #tpu.memory_space<hbm>> -> memref<384xf32, #tpu.memory_space<hbm>>
      %dma_wait3A_126 = tpu.memref_slice %arg14[%add3A, %mul3A_113] : memref<8x1536xf32, #tpu.memory_space<hbm>> -> memref<1x384xf32, #tpu.memory_space<hbm>>
      %dma_wait3A_127 = tpu.memref_squeeze %dma_wait3A_126 : memref<1x384xf32, #tpu.memory_space<hbm>> -> memref<384xf32, #tpu.memory_space<hbm>>
      %dma_wait3A_128 = arith.constant 0 : i32
      %dma_wait3A_129 = tpu.memref_slice %arg26[%dma_wait3A_128] : memref<400xf32, #tpu.memory_space<vmem>> -> memref<384xf32, #tpu.memory_space<vmem>>
      tpu.wait_dma2 semaphore(%run_scoped3A : memref<!tpu.dma_semaphore, #tpu.memory_space<semaphore_mem>>) src(%dma_wait3A_129 : memref<384xf32, #tpu.memory_space<vmem>>) dst(%dma_wait3A_127 : memref<384xf32, #tpu.memory_space<hbm>>)
      tpu.yield
    }) : () -> ()
    return
  }
}

module attributes {stable_mosaic.version = 14 : i64} {
  func.func @_prep_body(%arg0: i32, %arg1: memref<85x8x2048xf32, #tpu.memory_space<vmem>>, %arg2: memref<8x2048xf32, #tpu.memory_space<vmem>>, %arg3: memref<8x2048xf32, #tpu.memory_space<vmem>>, %arg4: memref<8x2048xf32, #tpu.memory_space<vmem>>, %arg5: memref<8x2048xf32, #tpu.memory_space<vmem>>, %arg6: memref<8x2048xf32, #tpu.memory_space<vmem>>, %arg7: memref<8x2048xf32, #tpu.memory_space<vmem>>, %arg8: memref<8x64xf32, #tpu.memory_space<vmem>>) attributes {dimension_semantics = [#tpu.dimension_semantics<arbitrary>], iteration_bounds = array<i64: 10>, scalar_prefetch = 0 : i64, scratch_operands = 0 : i64, tpu.core_type = #tpu.core_type<tc>, window_params = [{transform_indices = @transform_0, window_bounds = array<i64: 85, 8, 2048>}, {transform_indices = @transform_1, window_bounds = array<i64: 8, 2048>}, {transform_indices = @transform_2, window_bounds = array<i64: 8, 2048>}, {transform_indices = @transform_3, window_bounds = array<i64: 8, 2048>}, {transform_indices = @transform_4, window_bounds = array<i64: 8, 2048>}, {transform_indices = @transform_5, window_bounds = array<i64: 8, 2048>}, {transform_indices = @transform_6, window_bounds = array<i64: 8, 2048>}, {pipeline_mode = #tpu.pipeline_mode<synchronous>, transform_indices = @transform_7, window_bounds = array<i64: 8, 64>}]} {
    %get3A = arith.constant 0 : index
    %get3A_0 = arith.constant 0 : index
    %get3A_1 = arith.constant 0 : index
    %get3A_2 = vector.load %arg1[%get3A, %get3A_0, %get3A_1] : memref<85x8x2048xf32, #tpu.memory_space<vmem>>, vector<85x8x2048xf32>
    %slice3A = vector.extract_strided_slice %get3A_2 {offsets = [4, 0, 0], sizes = [1, 8, 2048], strides = [1, 1, 1]} : vector<85x8x2048xf32> to vector<1x8x2048xf32>
    %squeeze3A = vector.shape_cast %slice3A : vector<1x8x2048xf32> to vector<8x2048xf32>
    %slice3A_3 = vector.extract_strided_slice %get3A_2 {offsets = [5, 0, 0], sizes = [80, 8, 2048], strides = [1, 1, 1]} : vector<85x8x2048xf32> to vector<80x8x2048xf32>
    %slice3A_4 = vector.extract_strided_slice %get3A_2 {offsets = [4, 0, 0], sizes = [1, 8, 2048], strides = [1, 1, 1]} : vector<85x8x2048xf32> to vector<1x8x2048xf32>
    %mul3A = vector.broadcast %slice3A_4 : vector<1x8x2048xf32> to vector<80x8x2048xf32>
    %mul3A_5 = arith.mulf %slice3A_3, %mul3A : vector<80x8x2048xf32>
    %reduce_max3A = arith.constant dense<0xFF800000> : vector<8x2048xf32>
    %reduce_max3A_6 = vector.multi_reduction <maximumf>, %mul3A_5, %reduce_max3A [0] : vector<80x8x2048xf32> to vector<8x2048xf32>
    %iota3A = tpu.iota {dimensions = array<i32: 0>} : vector<80x8x2048xi32>
    %broadcast_in_dim3A = vector.shape_cast %reduce_max3A_6 : vector<8x2048xf32> to vector<1x8x2048xf32>
    %eq3A = vector.broadcast %broadcast_in_dim3A : vector<1x8x2048xf32> to vector<80x8x2048xf32>
    %eq3A_7 = arith.cmpf oeq, %mul3A_5, %eq3A : vector<80x8x2048xf32>
    %jit3A = arith.constant 80 : i32
    %broadcast_in_dim3A_8 = vector.broadcast %jit3A : i32 to vector<80x8x2048xi32>
    %select_n3A = arith.select %eq3A_7, %iota3A, %broadcast_in_dim3A_8 : vector<80x8x2048xi1>, vector<80x8x2048xi32>
    %reduce_min3A = arith.constant dense<2147483647> : vector<8x2048xi32>
    %reduce_min3A_9 = vector.multi_reduction <minsi>, %select_n3A, %reduce_min3A [0] : vector<80x8x2048xi32> to vector<8x2048xi32>
    %convert_element_type3A = arith.sitofp %reduce_min3A_9 : vector<8x2048xi32> to vector<8x2048xf32>
    %slice3A_10 = vector.extract_strided_slice %get3A_2 {offsets = [0, 0, 0], sizes = [1, 8, 2048], strides = [1, 1, 1]} : vector<85x8x2048xf32> to vector<1x8x2048xf32>
    %squeeze3A_11 = vector.shape_cast %slice3A_10 : vector<1x8x2048xf32> to vector<8x2048xf32>
    %slice3A_12 = vector.extract_strided_slice %get3A_2 {offsets = [1, 0, 0], sizes = [1, 8, 2048], strides = [1, 1, 1]} : vector<85x8x2048xf32> to vector<1x8x2048xf32>
    %squeeze3A_13 = vector.shape_cast %slice3A_12 : vector<1x8x2048xf32> to vector<8x2048xf32>
    %slice3A_14 = vector.extract_strided_slice %get3A_2 {offsets = [2, 0, 0], sizes = [1, 8, 2048], strides = [1, 1, 1]} : vector<85x8x2048xf32> to vector<1x8x2048xf32>
    %squeeze3A_15 = vector.shape_cast %slice3A_14 : vector<1x8x2048xf32> to vector<8x2048xf32>
    %slice3A_16 = vector.extract_strided_slice %get3A_2 {offsets = [3, 0, 0], sizes = [1, 8, 2048], strides = [1, 1, 1]} : vector<85x8x2048xf32> to vector<1x8x2048xf32>
    %squeeze3A_17 = vector.shape_cast %slice3A_16 : vector<1x8x2048xf32> to vector<8x2048xf32>
    %div3A = arith.constant 2.000000e+00 : f32
    %div3A_18 = vector.broadcast %div3A : f32 to vector<8x2048xf32>
    %div3A_19 = arith.divf %squeeze3A_15, %div3A_18 : vector<8x2048xf32>
    %sub3A = arith.subf %squeeze3A_11, %div3A_19 : vector<8x2048xf32>
    %div3A_20 = arith.constant 2.000000e+00 : f32
    %div3A_21 = vector.broadcast %div3A_20 : f32 to vector<8x2048xf32>
    %div3A_22 = arith.divf %squeeze3A_17, %div3A_21 : vector<8x2048xf32>
    %sub3A_23 = arith.subf %squeeze3A_13, %div3A_22 : vector<8x2048xf32>
    %div3A_24 = arith.constant 2.000000e+00 : f32
    %div3A_25 = vector.broadcast %div3A_24 : f32 to vector<8x2048xf32>
    %div3A_26 = arith.divf %squeeze3A_15, %div3A_25 : vector<8x2048xf32>
    %add3A = arith.addf %squeeze3A_11, %div3A_26 : vector<8x2048xf32>
    %div3A_27 = arith.constant 2.000000e+00 : f32
    %div3A_28 = vector.broadcast %div3A_27 : f32 to vector<8x2048xf32>
    %div3A_29 = arith.divf %squeeze3A_17, %div3A_28 : vector<8x2048xf32>
    %add3A_30 = arith.addf %squeeze3A_13, %div3A_29 : vector<8x2048xf32>
    %mul3A_31 = arith.constant 4.096000e+03 : f32
    %mul3A_32 = vector.broadcast %mul3A_31 : f32 to vector<8x2048xf32>
    %mul3A_33 = arith.mulf %convert_element_type3A, %mul3A_32 : vector<8x2048xf32>
    %mul3A_34 = arith.constant 2048 : i32
    %mul3A_35 = arith.muli %arg0, %mul3A_34 : i32
    %iota3A_36 = tpu.iota {dimensions = array<i32: 1>} : vector<8x2048xi32>
    %add3A_37 = vector.broadcast %mul3A_35 : i32 to vector<8x2048xi32>
    %add3A_38 = arith.addi %add3A_37, %iota3A_36 : vector<8x2048xi32>
    %lt3A = arith.constant 20000 : i32
    %lt3A_39 = vector.broadcast %lt3A : i32 to vector<8x2048xi32>
    %lt3A_40 = arith.cmpi slt, %add3A_38, %lt3A_39 : vector<8x2048xi32>
    %gt3A = arith.constant 6.000000e-01 : f32
    %gt3A_41 = vector.broadcast %gt3A : f32 to vector<8x2048xf32>
    %gt3A_42 = arith.cmpf ogt, %squeeze3A, %gt3A_41 : vector<8x2048xf32>
    %and3A = arith.andi %lt3A_40, %gt3A_42 : vector<8x2048xi1>
    %gt3A_43 = arith.constant 6.000000e-01 : f32
    %gt3A_44 = vector.broadcast %gt3A_43 : f32 to vector<8x2048xf32>
    %gt3A_45 = arith.cmpf ogt, %reduce_max3A_6, %gt3A_44 : vector<8x2048xf32>
    %and3A_46 = arith.andi %and3A, %gt3A_45 : vector<8x2048xi1>
    %jit3A_47 = arith.constant -1.000000e+00 : f32
    %broadcast_in_dim3A_48 = vector.broadcast %jit3A_47 : f32 to vector<8x2048xf32>
    %select_n3A_49 = arith.select %and3A_46, %reduce_max3A_6, %broadcast_in_dim3A_48 : vector<8x2048xi1>, vector<8x2048xf32>
    %swap3A = arith.constant 0 : index
    %swap3A_50 = arith.constant 0 : index
    %swap3A_51 = vector.load %arg2[%swap3A, %swap3A_50] : memref<8x2048xf32, #tpu.memory_space<vmem>>, vector<8x2048xf32>
    tpu.vector_store %arg2[%swap3A, %swap3A_50], %select_n3A_49 {strides = array<i32>} : memref<8x2048xf32, #tpu.memory_space<vmem>>, vector<8x2048xf32>,
    %add3A_52 = arith.addf %sub3A, %mul3A_33 : vector<8x2048xf32>
    %jit3A_53 = arith.constant 0.000000e+00 : f32
    %broadcast_in_dim3A_54 = vector.broadcast %jit3A_53 : f32 to vector<8x2048xf32>
    %select_n3A_55 = arith.select %lt3A_40, %add3A_52, %broadcast_in_dim3A_54 : vector<8x2048xi1>, vector<8x2048xf32>
    %swap3A_56 = arith.constant 0 : index
    %swap3A_57 = arith.constant 0 : index
    %swap3A_58 = vector.load %arg3[%swap3A_56, %swap3A_57] : memref<8x2048xf32, #tpu.memory_space<vmem>>, vector<8x2048xf32>
    tpu.vector_store %arg3[%swap3A_56, %swap3A_57], %select_n3A_55 {strides = array<i32>} : memref<8x2048xf32, #tpu.memory_space<vmem>>, vector<8x2048xf32>,
    %add3A_59 = arith.addf %sub3A_23, %mul3A_33 : vector<8x2048xf32>
    %jit3A_60 = arith.constant 0.000000e+00 : f32
    %broadcast_in_dim3A_61 = vector.broadcast %jit3A_60 : f32 to vector<8x2048xf32>
    %select_n3A_62 = arith.select %lt3A_40, %add3A_59, %broadcast_in_dim3A_61 : vector<8x2048xi1>, vector<8x2048xf32>
    %swap3A_63 = arith.constant 0 : index
    %swap3A_64 = arith.constant 0 : index
    %swap3A_65 = vector.load %arg4[%swap3A_63, %swap3A_64] : memref<8x2048xf32, #tpu.memory_space<vmem>>, vector<8x2048xf32>
    tpu.vector_store %arg4[%swap3A_63, %swap3A_64], %select_n3A_62 {strides = array<i32>} : memref<8x2048xf32, #tpu.memory_space<vmem>>, vector<8x2048xf32>,
    %add3A_66 = arith.addf %add3A, %mul3A_33 : vector<8x2048xf32>
    %jit3A_67 = arith.constant 0.000000e+00 : f32
    %broadcast_in_dim3A_68 = vector.broadcast %jit3A_67 : f32 to vector<8x2048xf32>
    %select_n3A_69 = arith.select %lt3A_40, %add3A_66, %broadcast_in_dim3A_68 : vector<8x2048xi1>, vector<8x2048xf32>
    %swap3A_70 = arith.constant 0 : index
    %swap3A_71 = arith.constant 0 : index
    %swap3A_72 = vector.load %arg5[%swap3A_70, %swap3A_71] : memref<8x2048xf32, #tpu.memory_space<vmem>>, vector<8x2048xf32>
    tpu.vector_store %arg5[%swap3A_70, %swap3A_71], %select_n3A_69 {strides = array<i32>} : memref<8x2048xf32, #tpu.memory_space<vmem>>, vector<8x2048xf32>,
    %add3A_73 = arith.addf %add3A_30, %mul3A_33 : vector<8x2048xf32>
    %jit3A_74 = arith.constant 0.000000e+00 : f32
    %broadcast_in_dim3A_75 = vector.broadcast %jit3A_74 : f32 to vector<8x2048xf32>
    %select_n3A_76 = arith.select %lt3A_40, %add3A_73, %broadcast_in_dim3A_75 : vector<8x2048xi1>, vector<8x2048xf32>
    %swap3A_77 = arith.constant 0 : index
    %swap3A_78 = arith.constant 0 : index
    %swap3A_79 = vector.load %arg6[%swap3A_77, %swap3A_78] : memref<8x2048xf32, #tpu.memory_space<vmem>>, vector<8x2048xf32>
    tpu.vector_store %arg6[%swap3A_77, %swap3A_78], %select_n3A_76 {strides = array<i32>} : memref<8x2048xf32, #tpu.memory_space<vmem>>, vector<8x2048xf32>,
    %jit3A_80 = arith.constant 0.000000e+00 : f32
    %broadcast_in_dim3A_81 = vector.broadcast %jit3A_80 : f32 to vector<8x2048xf32>
    %select_n3A_82 = arith.select %lt3A_40, %convert_element_type3A, %broadcast_in_dim3A_81 : vector<8x2048xi1>, vector<8x2048xf32>
    %swap3A_83 = arith.constant 0 : index
    %swap3A_84 = arith.constant 0 : index
    %swap3A_85 = vector.load %arg7[%swap3A_83, %swap3A_84] : memref<8x2048xf32, #tpu.memory_space<vmem>>, vector<8x2048xf32>
    tpu.vector_store %arg7[%swap3A_83, %swap3A_84], %select_n3A_82 {strides = array<i32>} : memref<8x2048xf32, #tpu.memory_space<vmem>>, vector<8x2048xf32>,
    %sub3A_86 = arith.constant 6.000000e-01 : f32
    %sub3A_87 = vector.broadcast %sub3A_86 : f32 to vector<8x2048xf32>
    %sub3A_88 = arith.subf %select_n3A_49, %sub3A_87 : vector<8x2048xf32>
    %mul3A_89 = arith.constant 1.600000e+02 : f32
    %mul3A_90 = vector.broadcast %mul3A_89 : f32 to vector<8x2048xf32>
    %mul3A_91 = arith.mulf %sub3A_88, %mul3A_90 : vector<8x2048xf32>
    %convert_element_type3A_92 = arith.fptosi %mul3A_91 : vector<8x2048xf32> to vector<8x2048xi32>
    %iota3A_93 = tpu.iota {dimensions = array<i32: 2>} : vector<8x2048x64xi32>
    %broadcast_in_dim3A_94 = vector.shape_cast %convert_element_type3A_92 : vector<8x2048xi32> to vector<8x2048x1xi32>
    %sub3A_95 = arith.constant 63 : i32
    %sub3A_96 = vector.broadcast %sub3A_95 : i32 to vector<8x2048x64xi32>
    %sub3A_97 = arith.subi %sub3A_96, %iota3A_93 : vector<8x2048x64xi32>
    %eq3A_98 = vector.broadcast %broadcast_in_dim3A_94 : vector<8x2048x1xi32> to vector<8x2048x64xi32>
    %eq3A_99 = arith.cmpi eq, %eq3A_98, %sub3A_97 : vector<8x2048x64xi32>
    %jit3A_100 = arith.constant 1.000000e+00 : f32
    %jit3A_101 = arith.constant 0.000000e+00 : f32
    %broadcast_in_dim3A_102 = vector.broadcast %jit3A_100 : f32 to vector<8x2048x64xf32>
    %broadcast_in_dim3A_103 = vector.broadcast %jit3A_101 : f32 to vector<8x2048x64xf32>
    %select_n3A_104 = arith.select %eq3A_99, %broadcast_in_dim3A_102, %broadcast_in_dim3A_103 : vector<8x2048x64xi1>, vector<8x2048x64xf32>
    %reduce_sum3A = arith.constant dense<0.000000e+00> : vector<8x64xf32>
    %reduce_sum3A_105 = vector.multi_reduction <add>, %select_n3A_104, %reduce_sum3A [1] : vector<8x2048x64xf32> to vector<8x64xf32>
    %eq3A_106 = arith.constant 0 : i32
    %eq3A_107 = arith.cmpi eq, %arg0, %eq3A_106 : i32
    %convert_element_type3A_108 = arith.extui %eq3A_107 : i1 to i32
    %cond3A = arith.constant 0 : i32
    %cond3A_109 = arith.cmpi ne, %convert_element_type3A_108, %cond3A : i32
    scf.if %cond3A_109 {
      %swap3A_114 = arith.constant 0 : index
      %swap3A_115 = arith.constant 0 : index
      %swap3A_116 = vector.load %arg8[%swap3A_114, %swap3A_115] : memref<8x64xf32, #tpu.memory_space<vmem>>, vector<8x64xf32>
      tpu.vector_store %arg8[%swap3A_114, %swap3A_115], %reduce_sum3A_105 {strides = array<i32>} : memref<8x64xf32, #tpu.memory_space<vmem>>, vector<8x64xf32>,
    } else {
    }
    %ne3A = arith.constant 0 : i32
    %ne3A_110 = arith.cmpi ne, %arg0, %ne3A : i32
    %convert_element_type3A_111 = arith.extui %ne3A_110 : i1 to i32
    %cond3A_112 = arith.constant 0 : i32
    %cond3A_113 = arith.cmpi ne, %convert_element_type3A_111, %cond3A_112 : i32
    scf.if %cond3A_113 {
      %get3A_114 = arith.constant 0 : index
      %get3A_115 = arith.constant 0 : index
      %get3A_116 = vector.load %arg8[%get3A_114, %get3A_115] : memref<8x64xf32, #tpu.memory_space<vmem>>, vector<8x64xf32>
      %add3A_117 = arith.addf %get3A_116, %reduce_sum3A_105 : vector<8x64xf32>
      %swap3A_118 = arith.constant 0 : index
      %swap3A_119 = arith.constant 0 : index
      %swap3A_120 = vector.load %arg8[%swap3A_118, %swap3A_119] : memref<8x64xf32, #tpu.memory_space<vmem>>, vector<8x64xf32>
      tpu.vector_store %arg8[%swap3A_118, %swap3A_119], %add3A_117 {strides = array<i32>} : memref<8x64xf32, #tpu.memory_space<vmem>>, vector<8x64xf32>,
    } else {
    }
    return
  }
  func.func @transform_0(%arg0: i32) -> (i32, i32, i32) {
    %c0_i32 = arith.constant 0 : i32
    %c0_i32_0 = arith.constant 0 : i32
    %c0_i32_1 = arith.constant 0 : i32
    return %c0_i32, %c0_i32_0, %arg0 : i32, i32, i32
  }
  func.func @transform_1(%arg0: i32) -> (i32, i32) {
    %c0_i32 = arith.constant 0 : i32
    %c0_i32_0 = arith.constant 0 : i32
    return %c0_i32, %arg0 : i32, i32
  }
  func.func @transform_2(%arg0: i32) -> (i32, i32) {
    %c0_i32 = arith.constant 0 : i32
    %c0_i32_0 = arith.constant 0 : i32
    return %c0_i32, %arg0 : i32, i32
  }
  func.func @transform_3(%arg0: i32) -> (i32, i32) {
    %c0_i32 = arith.constant 0 : i32
    %c0_i32_0 = arith.constant 0 : i32
    return %c0_i32, %arg0 : i32, i32
  }
  func.func @transform_4(%arg0: i32) -> (i32, i32) {
    %c0_i32 = arith.constant 0 : i32
    %c0_i32_0 = arith.constant 0 : i32
    return %c0_i32, %arg0 : i32, i32
  }
  func.func @transform_5(%arg0: i32) -> (i32, i32) {
    %c0_i32 = arith.constant 0 : i32
    %c0_i32_0 = arith.constant 0 : i32
    return %c0_i32, %arg0 : i32, i32
  }
  func.func @transform_6(%arg0: i32) -> (i32, i32) {
    %c0_i32 = arith.constant 0 : i32
    %c0_i32_0 = arith.constant 0 : i32
    return %c0_i32, %arg0 : i32, i32
  }
  func.func @transform_7(%arg0: i32) -> (i32, i32) {
    %c0_i32 = arith.constant 0 : i32
    %c0_i32_0 = arith.constant 0 : i32
    %c0_i32_1 = arith.constant 0 : i32
    return %c0_i32, %c0_i32_0 : i32, i32
  }
}

module attributes {stable_mosaic.version = 14 : i64} {
  func.func @_greedy_body(%arg0: memref<8x1536xf32, #tpu.memory_space<vmem>>, %arg1: memref<8x1536xf32, #tpu.memory_space<vmem>>, %arg2: memref<8x1536xf32, #tpu.memory_space<vmem>>, %arg3: memref<8x1536xf32, #tpu.memory_space<vmem>>, %arg4: memref<8x1536xf32, #tpu.memory_space<vmem>>, %arg5: memref<8x1536xf32, #tpu.memory_space<vmem>>, %arg6: memref<300x8x6xf32, #tpu.memory_space<vmem>>, %arg7: memref<8x1536xi32, #tpu.memory_space<vmem>>) attributes {dimension_semantics = [], scalar_prefetch = 0 : i64, scratch_operands = 1 : i64, tpu.core_type = #tpu.core_type<tc>} {
    %get3A = arith.constant 0 : index
    %get3A_0 = arith.constant 0 : index
    %get3A_1 = vector.load %arg1[%get3A, %get3A_0] : memref<8x1536xf32, #tpu.memory_space<vmem>>, vector<8x1536xf32>
    %get3A_2 = arith.constant 0 : index
    %get3A_3 = arith.constant 0 : index
    %get3A_4 = vector.load %arg2[%get3A_2, %get3A_3] : memref<8x1536xf32, #tpu.memory_space<vmem>>, vector<8x1536xf32>
    %get3A_5 = arith.constant 0 : index
    %get3A_6 = arith.constant 0 : index
    %get3A_7 = vector.load %arg3[%get3A_5, %get3A_6] : memref<8x1536xf32, #tpu.memory_space<vmem>>, vector<8x1536xf32>
    %get3A_8 = arith.constant 0 : index
    %get3A_9 = arith.constant 0 : index
    %get3A_10 = vector.load %arg4[%get3A_8, %get3A_9] : memref<8x1536xf32, #tpu.memory_space<vmem>>, vector<8x1536xf32>
    %sub3A = arith.subf %get3A_7, %get3A_1 : vector<8x1536xf32>
    %sub3A_11 = arith.subf %get3A_10, %get3A_4 : vector<8x1536xf32>
    %mul3A = arith.mulf %sub3A, %sub3A_11 : vector<8x1536xf32>
    %get3A_12 = arith.constant 0 : index
    %get3A_13 = arith.constant 0 : index
    %get3A_14 = vector.load %arg5[%get3A_12, %get3A_13] : memref<8x1536xf32, #tpu.memory_space<vmem>>, vector<8x1536xf32>
    %iota3A = tpu.iota {dimensions = array<i32: 1>} : vector<8x1536xi32>
    %get3A_15 = arith.constant 0 : index
    %get3A_16 = arith.constant 0 : index
    %get3A_17 = vector.load %arg0[%get3A_15, %get3A_16] : memref<8x1536xf32, #tpu.memory_space<vmem>>, vector<8x1536xf32>
    %broadcast_in_dim3A = arith.constant 0.000000e+00 : f32
    %broadcast_in_dim3A_18 = vector.broadcast %broadcast_in_dim3A : f32 to vector<8x1xf32>
    %slice3A = vector.extract_strided_slice %get3A_17 {offsets = [0, 0], sizes = [8, 1535], strides = [1, 1]} : vector<8x1536xf32> to vector<8x1535xf32>
    %concatenate3A = tpu.concatenate %broadcast_in_dim3A_18, %slice3A in 1 : vector<8x1xf32>, vector<8x1535xf32> -> vector<8x1536xf32>
    %shift_right_arithmetic3A = arith.constant 2 : i32
    %shift_right_arithmetic3A_19 = vector.broadcast %shift_right_arithmetic3A : i32 to vector<8x1536xi32>
    %shift_right_arithmetic3A_20 = arith.shrsi %iota3A, %shift_right_arithmetic3A_19 : vector<8x1536xi32>
    %sub3A_21 = arith.constant 1 : i32
    %sub3A_22 = vector.broadcast %sub3A_21 : i32 to vector<8x1536xi32>
    %sub3A_23 = arith.subi %iota3A, %sub3A_22 : vector<8x1536xi32>
    %shift_right_arithmetic3A_24 = arith.constant 2 : i32
    %shift_right_arithmetic3A_25 = vector.broadcast %shift_right_arithmetic3A_24 : i32 to vector<8x1536xi32>
    %shift_right_arithmetic3A_26 = arith.shrsi %sub3A_23, %shift_right_arithmetic3A_25 : vector<8x1536xi32>
    %eq3A = arith.cmpi eq, %shift_right_arithmetic3A_20, %shift_right_arithmetic3A_26 : vector<8x1536xi32>
    %eq3A_27 = arith.cmpf oeq, %get3A_17, %concatenate3A : vector<8x1536xf32>
    %and3A = arith.andi %eq3A_27, %eq3A : vector<8x1536xi1>
    %gt3A = arith.constant 0.000000e+00 : f32
    %gt3A_28 = vector.broadcast %gt3A : f32 to vector<8x1536xf32>
    %gt3A_29 = arith.cmpf ogt, %get3A_17, %gt3A_28 : vector<8x1536xf32>
    %and3A_30 = arith.andi %and3A, %gt3A_29 : vector<8x1536xi1>
    %bitcast_convert_type3A = tpu.bitcast %get3A_17 : vector<8x1536xf32> -> vector<8x1536xi32>
    %sub3A_31 = arith.constant 1 : i32
    %sub3A_32 = vector.broadcast %sub3A_31 : i32 to vector<8x1536xi32>
    %sub3A_33 = arith.subi %bitcast_convert_type3A, %sub3A_32 : vector<8x1536xi32>
    %bitcast_convert_type3A_34 = tpu.bitcast %sub3A_33 : vector<8x1536xi32> -> vector<8x1536xf32>
    %select_n3A = arith.select %and3A_30, %bitcast_convert_type3A_34, %get3A_17 : vector<8x1536xi1>, vector<8x1536xf32>
    %broadcast_in_dim3A_35 = arith.constant 0.000000e+00 : f32
    %broadcast_in_dim3A_36 = vector.broadcast %broadcast_in_dim3A_35 : f32 to vector<8x2xf32>
    %slice3A_37 = vector.extract_strided_slice %select_n3A {offsets = [0, 0], sizes = [8, 1534], strides = [1, 1]} : vector<8x1536xf32> to vector<8x1534xf32>
    %concatenate3A_38 = tpu.concatenate %broadcast_in_dim3A_36, %slice3A_37 in 1 : vector<8x2xf32>, vector<8x1534xf32> -> vector<8x1536xf32>
    %shift_right_arithmetic3A_39 = arith.constant 2 : i32
    %shift_right_arithmetic3A_40 = vector.broadcast %shift_right_arithmetic3A_39 : i32 to vector<8x1536xi32>
    %shift_right_arithmetic3A_41 = arith.shrsi %iota3A, %shift_right_arithmetic3A_40 : vector<8x1536xi32>
    %sub3A_42 = arith.constant 2 : i32
    %sub3A_43 = vector.broadcast %sub3A_42 : i32 to vector<8x1536xi32>
    %sub3A_44 = arith.subi %iota3A, %sub3A_43 : vector<8x1536xi32>
    %shift_right_arithmetic3A_45 = arith.constant 2 : i32
    %shift_right_arithmetic3A_46 = vector.broadcast %shift_right_arithmetic3A_45 : i32 to vector<8x1536xi32>
    %shift_right_arithmetic3A_47 = arith.shrsi %sub3A_44, %shift_right_arithmetic3A_46 : vector<8x1536xi32>
    %eq3A_48 = arith.cmpi eq, %shift_right_arithmetic3A_41, %shift_right_arithmetic3A_47 : vector<8x1536xi32>
    %eq3A_49 = arith.cmpf oeq, %select_n3A, %concatenate3A_38 : vector<8x1536xf32>
    %and3A_50 = arith.andi %eq3A_49, %eq3A_48 : vector<8x1536xi1>
    %gt3A_51 = arith.constant 0.000000e+00 : f32
    %gt3A_52 = vector.broadcast %gt3A_51 : f32 to vector<8x1536xf32>
    %gt3A_53 = arith.cmpf ogt, %select_n3A, %gt3A_52 : vector<8x1536xf32>
    %and3A_54 = arith.andi %and3A_50, %gt3A_53 : vector<8x1536xi1>
    %bitcast_convert_type3A_55 = tpu.bitcast %select_n3A : vector<8x1536xf32> -> vector<8x1536xi32>
    %sub3A_56 = arith.constant 1 : i32
    %sub3A_57 = vector.broadcast %sub3A_56 : i32 to vector<8x1536xi32>
    %sub3A_58 = arith.subi %bitcast_convert_type3A_55, %sub3A_57 : vector<8x1536xi32>
    %bitcast_convert_type3A_59 = tpu.bitcast %sub3A_58 : vector<8x1536xi32> -> vector<8x1536xf32>
    %select_n3A_60 = arith.select %and3A_54, %bitcast_convert_type3A_59, %select_n3A : vector<8x1536xi1>, vector<8x1536xf32>
    %broadcast_in_dim3A_61 = arith.constant 0.000000e+00 : f32
    %broadcast_in_dim3A_62 = vector.broadcast %broadcast_in_dim3A_61 : f32 to vector<8x3xf32>
    %slice3A_63 = vector.extract_strided_slice %select_n3A_60 {offsets = [0, 0], sizes = [8, 1533], strides = [1, 1]} : vector<8x1536xf32> to vector<8x1533xf32>
    %concatenate3A_64 = tpu.concatenate %broadcast_in_dim3A_62, %slice3A_63 in 1 : vector<8x3xf32>, vector<8x1533xf32> -> vector<8x1536xf32>
    %shift_right_arithmetic3A_65 = arith.constant 2 : i32
    %shift_right_arithmetic3A_66 = vector.broadcast %shift_right_arithmetic3A_65 : i32 to vector<8x1536xi32>
    %shift_right_arithmetic3A_67 = arith.shrsi %iota3A, %shift_right_arithmetic3A_66 : vector<8x1536xi32>
    %sub3A_68 = arith.constant 3 : i32
    %sub3A_69 = vector.broadcast %sub3A_68 : i32 to vector<8x1536xi32>
    %sub3A_70 = arith.subi %iota3A, %sub3A_69 : vector<8x1536xi32>
    %shift_right_arithmetic3A_71 = arith.constant 2 : i32
    %shift_right_arithmetic3A_72 = vector.broadcast %shift_right_arithmetic3A_71 : i32 to vector<8x1536xi32>
    %shift_right_arithmetic3A_73 = arith.shrsi %sub3A_70, %shift_right_arithmetic3A_72 : vector<8x1536xi32>
    %eq3A_74 = arith.cmpi eq, %shift_right_arithmetic3A_67, %shift_right_arithmetic3A_73 : vector<8x1536xi32>
    %eq3A_75 = arith.cmpf oeq, %select_n3A_60, %concatenate3A_64 : vector<8x1536xf32>
    %and3A_76 = arith.andi %eq3A_75, %eq3A_74 : vector<8x1536xi1>
    %gt3A_77 = arith.constant 0.000000e+00 : f32
    %gt3A_78 = vector.broadcast %gt3A_77 : f32 to vector<8x1536xf32>
    %gt3A_79 = arith.cmpf ogt, %select_n3A_60, %gt3A_78 : vector<8x1536xf32>
    %and3A_80 = arith.andi %and3A_76, %gt3A_79 : vector<8x1536xi1>
    %bitcast_convert_type3A_81 = tpu.bitcast %select_n3A_60 : vector<8x1536xf32> -> vector<8x1536xi32>
    %sub3A_82 = arith.constant 1 : i32
    %sub3A_83 = vector.broadcast %sub3A_82 : i32 to vector<8x1536xi32>
    %sub3A_84 = arith.subi %bitcast_convert_type3A_81, %sub3A_83 : vector<8x1536xi32>
    %bitcast_convert_type3A_85 = tpu.bitcast %sub3A_84 : vector<8x1536xi32> -> vector<8x1536xf32>
    %select_n3A_86 = arith.select %and3A_80, %bitcast_convert_type3A_85, %select_n3A_60 : vector<8x1536xi1>, vector<8x1536xf32>
    %shift_right_arithmetic3A_87 = arith.constant 2 : i32
    %shift_right_arithmetic3A_88 = vector.broadcast %shift_right_arithmetic3A_87 : i32 to vector<8x1536xi32>
    %shift_right_arithmetic3A_89 = arith.shrsi %iota3A, %shift_right_arithmetic3A_88 : vector<8x1536xi32>
    %sub3A_90 = arith.constant 511 : i32
    %sub3A_91 = vector.broadcast %sub3A_90 : i32 to vector<8x1536xi32>
    %sub3A_92 = arith.subi %sub3A_91, %shift_right_arithmetic3A_89 : vector<8x1536xi32>
    %bitcast_convert_type3A_93 = tpu.bitcast %select_n3A_86 : vector<8x1536xf32> -> vector<8x1536xi32>
    %and3A_94 = arith.constant 8388607 : i32
    %and3A_95 = vector.broadcast %and3A_94 : i32 to vector<8x1536xi32>
    %and3A_96 = arith.andi %bitcast_convert_type3A_93, %and3A_95 : vector<8x1536xi32>
    %shift_left3A = arith.constant 9 : i32
    %shift_left3A_97 = vector.broadcast %shift_left3A : i32 to vector<8x1536xi32>
    %shift_left3A_98 = arith.shli %and3A_96, %shift_left3A_97 : vector<8x1536xi32>
    %or3A = arith.ori %shift_left3A_98, %sub3A_92 : vector<8x1536xi32>
    %gt3A_99 = arith.constant 0.000000e+00 : f32
    %gt3A_100 = vector.broadcast %gt3A_99 : f32 to vector<8x1536xf32>
    %gt3A_101 = arith.cmpf ogt, %select_n3A_86, %gt3A_100 : vector<8x1536xf32>
    %xor3A = arith.constant -2147483648 : i32
    %xor3A_102 = vector.broadcast %xor3A : i32 to vector<8x1536xi32>
    %xor3A_103 = arith.xori %or3A, %xor3A_102 : vector<8x1536xi32>
    %jit3A = arith.constant -2147483648 : i32
    %broadcast_in_dim3A_104 = vector.broadcast %jit3A : i32 to vector<8x1536xi32>
    %select_n3A_105 = arith.select %gt3A_101, %xor3A_103, %broadcast_in_dim3A_104 : vector<8x1536xi1>, vector<8x1536xi32>
    %swap3A = arith.constant 0 : index
    %swap3A_106 = arith.constant 0 : index
    %swap3A_107 = vector.load %arg7[%swap3A, %swap3A_106] : memref<8x1536xi32, #tpu.memory_space<vmem>>, vector<8x1536xi32>
    tpu.vector_store %arg7[%swap3A, %swap3A_106], %select_n3A_105 {strides = array<i32>} : memref<8x1536xi32, #tpu.memory_space<vmem>>, vector<8x1536xi32>,
    %scan3A = arith.constant 0 : i32
    %scan3A_108 = arith.constant 300 : i32
    %scan3A_109 = arith.addi %scan3A, %scan3A_108 : i32
    %scan3A_110 = arith.constant 4 : i32
    scf.for %scan3A_112 = %scan3A to %scan3A_109 step %scan3A_110  : i32 {
      %get3A_113 = arith.constant 0 : index
      %get3A_114 = arith.constant 0 : index
      %get3A_115 = vector.load %arg7[%get3A_113, %get3A_114] : memref<8x1536xi32, #tpu.memory_space<vmem>>, vector<8x1536xi32>
      %reduce_max3A = arith.constant dense<-2147483648> : vector<8xi32>
      %reduce_max3A_116 = vector.multi_reduction <maxsi>, %get3A_115, %reduce_max3A [1] : vector<8x1536xi32> to vector<8xi32>
      %broadcast_in_dim3A_117 = vector.shape_cast %reduce_max3A_116 : vector<8xi32> to vector<8x1xi32>
      %eq3A_118 = vector.broadcast %broadcast_in_dim3A_117 : vector<8x1xi32> to vector<8x1536xi32>
      %eq3A_119 = arith.cmpi eq, %get3A_115, %eq3A_118 : vector<8x1536xi32>
      %ne3A = arith.constant -2147483648 : i32
      %ne3A_120 = vector.broadcast %ne3A : i32 to vector<8x1xi32>
      %ne3A_121 = arith.cmpi ne, %broadcast_in_dim3A_117, %ne3A_120 : vector<8x1xi32>
      %xor3A_122 = arith.constant -2147483648 : i32
      %xor3A_123 = vector.broadcast %xor3A_122 : i32 to vector<8x1xi32>
      %xor3A_124 = arith.xori %broadcast_in_dim3A_117, %xor3A_123 : vector<8x1xi32>
      %shift_right_logical3A = arith.constant 9 : i32
      %shift_right_logical3A_125 = vector.broadcast %shift_right_logical3A : i32 to vector<8x1xi32>
      %shift_right_logical3A_126 = arith.shrui %xor3A_124, %shift_right_logical3A_125 : vector<8x1xi32>
      %and3A_127 = arith.constant 8388607 : i32
      %and3A_128 = vector.broadcast %and3A_127 : i32 to vector<8x1xi32>
      %and3A_129 = arith.andi %shift_right_logical3A_126, %and3A_128 : vector<8x1xi32>
      %or3A_130 = arith.constant 1056964608 : i32
      %or3A_131 = vector.broadcast %or3A_130 : i32 to vector<8x1xi32>
      %or3A_132 = arith.ori %or3A_131, %and3A_129 : vector<8x1xi32>
      %bitcast_convert_type3A_133 = tpu.bitcast %or3A_132 : vector<8x1xi32> -> vector<8x1xf32>
      %jit3A_134 = arith.constant 0.000000e+00 : f32
      %broadcast_in_dim3A_135 = vector.broadcast %jit3A_134 : f32 to vector<8x1536xf32>
      %select_n3A_136 = arith.select %eq3A_119, %get3A_1, %broadcast_in_dim3A_135 : vector<8x1536xi1>, vector<8x1536xf32>
      %reduce_sum3A = arith.constant dense<0.000000e+00> : vector<8xf32>
      %reduce_sum3A_137 = vector.multi_reduction <add>, %select_n3A_136, %reduce_sum3A [1] : vector<8x1536xf32> to vector<8xf32>
      %broadcast_in_dim3A_138 = vector.shape_cast %reduce_sum3A_137 : vector<8xf32> to vector<8x1xf32>
      %jit3A_139 = arith.constant 0.000000e+00 : f32
      %broadcast_in_dim3A_140 = vector.broadcast %jit3A_139 : f32 to vector<8x1536xf32>
      %select_n3A_141 = arith.select %eq3A_119, %get3A_4, %broadcast_in_dim3A_140 : vector<8x1536xi1>, vector<8x1536xf32>
      %reduce_sum3A_142 = arith.constant dense<0.000000e+00> : vector<8xf32>
      %reduce_sum3A_143 = vector.multi_reduction <add>, %select_n3A_141, %reduce_sum3A_142 [1] : vector<8x1536xf32> to vector<8xf32>
      %broadcast_in_dim3A_144 = vector.shape_cast %reduce_sum3A_143 : vector<8xf32> to vector<8x1xf32>
      %jit3A_145 = arith.constant 0.000000e+00 : f32
      %broadcast_in_dim3A_146 = vector.broadcast %jit3A_145 : f32 to vector<8x1536xf32>
      %select_n3A_147 = arith.select %eq3A_119, %get3A_7, %broadcast_in_dim3A_146 : vector<8x1536xi1>, vector<8x1536xf32>
      %reduce_sum3A_148 = arith.constant dense<0.000000e+00> : vector<8xf32>
      %reduce_sum3A_149 = vector.multi_reduction <add>, %select_n3A_147, %reduce_sum3A_148 [1] : vector<8x1536xf32> to vector<8xf32>
      %broadcast_in_dim3A_150 = vector.shape_cast %reduce_sum3A_149 : vector<8xf32> to vector<8x1xf32>
      %jit3A_151 = arith.constant 0.000000e+00 : f32
      %broadcast_in_dim3A_152 = vector.broadcast %jit3A_151 : f32 to vector<8x1536xf32>
      %select_n3A_153 = arith.select %eq3A_119, %get3A_10, %broadcast_in_dim3A_152 : vector<8x1536xi1>, vector<8x1536xf32>
      %reduce_sum3A_154 = arith.constant dense<0.000000e+00> : vector<8xf32>
      %reduce_sum3A_155 = vector.multi_reduction <add>, %select_n3A_153, %reduce_sum3A_154 [1] : vector<8x1536xf32> to vector<8xf32>
      %broadcast_in_dim3A_156 = vector.shape_cast %reduce_sum3A_155 : vector<8xf32> to vector<8x1xf32>
      %jit3A_157 = arith.constant 0.000000e+00 : f32
      %broadcast_in_dim3A_158 = vector.broadcast %jit3A_157 : f32 to vector<8x1536xf32>
      %select_n3A_159 = arith.select %eq3A_119, %get3A_14, %broadcast_in_dim3A_158 : vector<8x1536xi1>, vector<8x1536xf32>
      %reduce_sum3A_160 = arith.constant dense<0.000000e+00> : vector<8xf32>
      %reduce_sum3A_161 = vector.multi_reduction <add>, %select_n3A_159, %reduce_sum3A_160 [1] : vector<8x1536xf32> to vector<8xf32>
      %broadcast_in_dim3A_162 = vector.shape_cast %reduce_sum3A_161 : vector<8xf32> to vector<8x1xf32>
      %mul3A_163 = arith.constant 4.096000e+03 : f32
      %mul3A_164 = vector.broadcast %mul3A_163 : f32 to vector<8x1xf32>
      %mul3A_165 = arith.mulf %broadcast_in_dim3A_162, %mul3A_164 : vector<8x1xf32>
      %min3A = vector.broadcast %broadcast_in_dim3A_150 : vector<8x1xf32> to vector<8x1536xf32>
      %min3A_166 = arith.minimumf %min3A, %get3A_7 : vector<8x1536xf32>
      %max3A = vector.broadcast %broadcast_in_dim3A_138 : vector<8x1xf32> to vector<8x1536xf32>
      %max3A_167 = arith.maximumf %max3A, %get3A_1 : vector<8x1536xf32>
      %sub3A_168 = arith.subf %min3A_166, %max3A_167 : vector<8x1536xf32>
      %jit3A_169 = arith.constant 0.000000e+00 : f32
      %max3A_170 = vector.broadcast %jit3A_169 : f32 to vector<8x1536xf32>
      %max3A_171 = arith.maximumf %max3A_170, %sub3A_168 : vector<8x1536xf32>
      %min3A_172 = vector.broadcast %broadcast_in_dim3A_156 : vector<8x1xf32> to vector<8x1536xf32>
      %min3A_173 = arith.minimumf %min3A_172, %get3A_10 : vector<8x1536xf32>
      %max3A_174 = vector.broadcast %broadcast_in_dim3A_144 : vector<8x1xf32> to vector<8x1536xf32>
      %max3A_175 = arith.maximumf %max3A_174, %get3A_4 : vector<8x1536xf32>
      %sub3A_176 = arith.subf %min3A_173, %max3A_175 : vector<8x1536xf32>
      %jit3A_177 = arith.constant 0.000000e+00 : f32
      %max3A_178 = vector.broadcast %jit3A_177 : f32 to vector<8x1536xf32>
      %max3A_179 = arith.maximumf %max3A_178, %sub3A_176 : vector<8x1536xf32>
      %mul3A_180 = arith.mulf %max3A_171, %max3A_179 : vector<8x1536xf32>
      %sub3A_181 = arith.subf %broadcast_in_dim3A_150, %broadcast_in_dim3A_138 : vector<8x1xf32>
      %sub3A_182 = arith.subf %broadcast_in_dim3A_156, %broadcast_in_dim3A_144 : vector<8x1xf32>
      %mul3A_183 = arith.mulf %sub3A_181, %sub3A_182 : vector<8x1xf32>
      %add3A = vector.broadcast %mul3A_183 : vector<8x1xf32> to vector<8x1536xf32>
      %add3A_184 = arith.addf %add3A, %mul3A : vector<8x1536xf32>
      %sub3A_185 = arith.subf %add3A_184, %mul3A_180 : vector<8x1536xf32>
      %add3A_186 = arith.constant 9.99999971E-10 : f32
      %add3A_187 = vector.broadcast %add3A_186 : f32 to vector<8x1536xf32>
      %add3A_188 = arith.addf %sub3A_185, %add3A_187 : vector<8x1536xf32>
      %div3A = arith.divf %mul3A_180, %add3A_188 : vector<8x1536xf32>
      %gt3A_189 = arith.constant 4.500000e-01 : f32
      %gt3A_190 = vector.broadcast %gt3A_189 : f32 to vector<8x1536xf32>
      %gt3A_191 = arith.cmpf ogt, %div3A, %gt3A_190 : vector<8x1536xf32>
      %jit3A_192 = arith.constant -2147483648 : i32
      %broadcast_in_dim3A_193 = vector.broadcast %jit3A_192 : i32 to vector<8x1536xi32>
      %select_n3A_194 = arith.select %gt3A_191, %broadcast_in_dim3A_193, %get3A_115 : vector<8x1536xi1>, vector<8x1536xi32>
      %swap3A_195 = arith.constant 0 : index
      %swap3A_196 = arith.constant 0 : index
      %swap3A_197 = vector.load %arg7[%swap3A_195, %swap3A_196] : memref<8x1536xi32, #tpu.memory_space<vmem>>, vector<8x1536xi32>
      tpu.vector_store %arg7[%swap3A_195, %swap3A_196], %select_n3A_194 {strides = array<i32>} : memref<8x1536xi32, #tpu.memory_space<vmem>>, vector<8x1536xi32>,
      %sub3A_198 = arith.subf %broadcast_in_dim3A_138, %mul3A_165 : vector<8x1xf32>
      %sub3A_199 = arith.subf %broadcast_in_dim3A_144, %mul3A_165 : vector<8x1xf32>
      %sub3A_200 = arith.subf %broadcast_in_dim3A_150, %mul3A_165 : vector<8x1xf32>
      %sub3A_201 = arith.subf %broadcast_in_dim3A_156, %mul3A_165 : vector<8x1xf32>
      %concatenate3A_202 = tpu.concatenate %sub3A_198, %sub3A_199, %sub3A_200, %sub3A_201, %bitcast_convert_type3A_133, %broadcast_in_dim3A_162 in 1 : vector<8x1xf32>, vector<8x1xf32>, vector<8x1xf32>, vector<8x1xf32>, vector<8x1xf32>, vector<8x1xf32> -> vector<8x6xf32>
      %jit3A_203 = arith.constant 0.000000e+00 : f32
      %broadcast_in_dim3A_204 = vector.shape_cast %ne3A_121 : vector<8x1xi1> to vector<8x1xi1>
      %broadcast_in_dim3A_205 = vector.broadcast %broadcast_in_dim3A_204 : vector<8x1xi1> to vector<8x6xi1>
      %broadcast_in_dim3A_206 = vector.broadcast %jit3A_203 : f32 to vector<8x6xf32>
      %select_n3A_207 = arith.select %broadcast_in_dim3A_205, %concatenate3A_202, %broadcast_in_dim3A_206 : vector<8x6xi1>, vector<8x6xf32>
      %broadcast_in_dim3A_208 = vector.shape_cast %select_n3A_207 : vector<8x6xf32> to vector<1x8x6xf32>
      %swap3A_209 = arith.index_cast %scan3A_112 : i32 to index
      %swap3A_210 = arith.constant 0 : index
      %swap3A_211 = arith.constant 0 : index
      %swap3A_212 = vector.load %arg6[%swap3A_209, %swap3A_210, %swap3A_211] : memref<300x8x6xf32, #tpu.memory_space<vmem>>, vector<1x8x6xf32>
      tpu.vector_store %arg6[%swap3A_209, %swap3A_210, %swap3A_211], %broadcast_in_dim3A_208 {strides = array<i32>} : memref<300x8x6xf32, #tpu.memory_space<vmem>>, vector<1x8x6xf32>,
      %scan3A_213 = arith.constant 1 : i32
      %scan3A_214 = arith.addi %scan3A_112, %scan3A_213 : i32
      %get3A_215 = arith.constant 0 : index
      %get3A_216 = arith.constant 0 : index
      %get3A_217 = vector.load %arg7[%get3A_215, %get3A_216] : memref<8x1536xi32, #tpu.memory_space<vmem>>, vector<8x1536xi32>
      %reduce_max3A_218 = arith.constant dense<-2147483648> : vector<8xi32>
      %reduce_max3A_219 = vector.multi_reduction <maxsi>, %get3A_217, %reduce_max3A_218 [1] : vector<8x1536xi32> to vector<8xi32>
      %broadcast_in_dim3A_220 = vector.shape_cast %reduce_max3A_219 : vector<8xi32> to vector<8x1xi32>
      %eq3A_221 = vector.broadcast %broadcast_in_dim3A_220 : vector<8x1xi32> to vector<8x1536xi32>
      %eq3A_222 = arith.cmpi eq, %get3A_217, %eq3A_221 : vector<8x1536xi32>
      %ne3A_223 = arith.constant -2147483648 : i32
      %ne3A_224 = vector.broadcast %ne3A_223 : i32 to vector<8x1xi32>
      %ne3A_225 = arith.cmpi ne, %broadcast_in_dim3A_220, %ne3A_224 : vector<8x1xi32>
      %xor3A_226 = arith.constant -2147483648 : i32
      %xor3A_227 = vector.broadcast %xor3A_226 : i32 to vector<8x1xi32>
      %xor3A_228 = arith.xori %broadcast_in_dim3A_220, %xor3A_227 : vector<8x1xi32>
      %shift_right_logical3A_229 = arith.constant 9 : i32
      %shift_right_logical3A_230 = vector.broadcast %shift_right_logical3A_229 : i32 to vector<8x1xi32>
      %shift_right_logical3A_231 = arith.shrui %xor3A_228, %shift_right_logical3A_230 : vector<8x1xi32>
      %and3A_232 = arith.constant 8388607 : i32
      %and3A_233 = vector.broadcast %and3A_232 : i32 to vector<8x1xi32>
      %and3A_234 = arith.andi %shift_right_logical3A_231, %and3A_233 : vector<8x1xi32>
      %or3A_235 = arith.constant 1056964608 : i32
      %or3A_236 = vector.broadcast %or3A_235 : i32 to vector<8x1xi32>
      %or3A_237 = arith.ori %or3A_236, %and3A_234 : vector<8x1xi32>
      %bitcast_convert_type3A_238 = tpu.bitcast %or3A_237 : vector<8x1xi32> -> vector<8x1xf32>
      %jit3A_239 = arith.constant 0.000000e+00 : f32
      %broadcast_in_dim3A_240 = vector.broadcast %jit3A_239 : f32 to vector<8x1536xf32>
      %select_n3A_241 = arith.select %eq3A_222, %get3A_1, %broadcast_in_dim3A_240 : vector<8x1536xi1>, vector<8x1536xf32>
      %reduce_sum3A_242 = arith.constant dense<0.000000e+00> : vector<8xf32>
      %reduce_sum3A_243 = vector.multi_reduction <add>, %select_n3A_241, %reduce_sum3A_242 [1] : vector<8x1536xf32> to vector<8xf32>
      %broadcast_in_dim3A_244 = vector.shape_cast %reduce_sum3A_243 : vector<8xf32> to vector<8x1xf32>
      %jit3A_245 = arith.constant 0.000000e+00 : f32
      %broadcast_in_dim3A_246 = vector.broadcast %jit3A_245 : f32 to vector<8x1536xf32>
      %select_n3A_247 = arith.select %eq3A_222, %get3A_4, %broadcast_in_dim3A_246 : vector<8x1536xi1>, vector<8x1536xf32>
      %reduce_sum3A_248 = arith.constant dense<0.000000e+00> : vector<8xf32>
      %reduce_sum3A_249 = vector.multi_reduction <add>, %select_n3A_247, %reduce_sum3A_248 [1] : vector<8x1536xf32> to vector<8xf32>
      %broadcast_in_dim3A_250 = vector.shape_cast %reduce_sum3A_249 : vector<8xf32> to vector<8x1xf32>
      %jit3A_251 = arith.constant 0.000000e+00 : f32
      %broadcast_in_dim3A_252 = vector.broadcast %jit3A_251 : f32 to vector<8x1536xf32>
      %select_n3A_253 = arith.select %eq3A_222, %get3A_7, %broadcast_in_dim3A_252 : vector<8x1536xi1>, vector<8x1536xf32>
      %reduce_sum3A_254 = arith.constant dense<0.000000e+00> : vector<8xf32>
      %reduce_sum3A_255 = vector.multi_reduction <add>, %select_n3A_253, %reduce_sum3A_254 [1] : vector<8x1536xf32> to vector<8xf32>
      %broadcast_in_dim3A_256 = vector.shape_cast %reduce_sum3A_255 : vector<8xf32> to vector<8x1xf32>
      %jit3A_257 = arith.constant 0.000000e+00 : f32
      %broadcast_in_dim3A_258 = vector.broadcast %jit3A_257 : f32 to vector<8x1536xf32>
      %select_n3A_259 = arith.select %eq3A_222, %get3A_10, %broadcast_in_dim3A_258 : vector<8x1536xi1>, vector<8x1536xf32>
      %reduce_sum3A_260 = arith.constant dense<0.000000e+00> : vector<8xf32>
      %reduce_sum3A_261 = vector.multi_reduction <add>, %select_n3A_259, %reduce_sum3A_260 [1] : vector<8x1536xf32> to vector<8xf32>
      %broadcast_in_dim3A_262 = vector.shape_cast %reduce_sum3A_261 : vector<8xf32> to vector<8x1xf32>
      %jit3A_263 = arith.constant 0.000000e+00 : f32
      %broadcast_in_dim3A_264 = vector.broadcast %jit3A_263 : f32 to vector<8x1536xf32>
      %select_n3A_265 = arith.select %eq3A_222, %get3A_14, %broadcast_in_dim3A_264 : vector<8x1536xi1>, vector<8x1536xf32>
      %reduce_sum3A_266 = arith.constant dense<0.000000e+00> : vector<8xf32>
      %reduce_sum3A_267 = vector.multi_reduction <add>, %select_n3A_265, %reduce_sum3A_266 [1] : vector<8x1536xf32> to vector<8xf32>
      %broadcast_in_dim3A_268 = vector.shape_cast %reduce_sum3A_267 : vector<8xf32> to vector<8x1xf32>
      %mul3A_269 = arith.constant 4.096000e+03 : f32
      %mul3A_270 = vector.broadcast %mul3A_269 : f32 to vector<8x1xf32>
      %mul3A_271 = arith.mulf %broadcast_in_dim3A_268, %mul3A_270 : vector<8x1xf32>
      %min3A_272 = vector.broadcast %broadcast_in_dim3A_256 : vector<8x1xf32> to vector<8x1536xf32>
      %min3A_273 = arith.minimumf %min3A_272, %get3A_7 : vector<8x1536xf32>
      %max3A_274 = vector.broadcast %broadcast_in_dim3A_244 : vector<8x1xf32> to vector<8x1536xf32>
      %max3A_275 = arith.maximumf %max3A_274, %get3A_1 : vector<8x1536xf32>
      %sub3A_276 = arith.subf %min3A_273, %max3A_275 : vector<8x1536xf32>
      %jit3A_277 = arith.constant 0.000000e+00 : f32
      %max3A_278 = vector.broadcast %jit3A_277 : f32 to vector<8x1536xf32>
      %max3A_279 = arith.maximumf %max3A_278, %sub3A_276 : vector<8x1536xf32>
      %min3A_280 = vector.broadcast %broadcast_in_dim3A_262 : vector<8x1xf32> to vector<8x1536xf32>
      %min3A_281 = arith.minimumf %min3A_280, %get3A_10 : vector<8x1536xf32>
      %max3A_282 = vector.broadcast %broadcast_in_dim3A_250 : vector<8x1xf32> to vector<8x1536xf32>
      %max3A_283 = arith.maximumf %max3A_282, %get3A_4 : vector<8x1536xf32>
      %sub3A_284 = arith.subf %min3A_281, %max3A_283 : vector<8x1536xf32>
      %jit3A_285 = arith.constant 0.000000e+00 : f32
      %max3A_286 = vector.broadcast %jit3A_285 : f32 to vector<8x1536xf32>
      %max3A_287 = arith.maximumf %max3A_286, %sub3A_284 : vector<8x1536xf32>
      %mul3A_288 = arith.mulf %max3A_279, %max3A_287 : vector<8x1536xf32>
      %sub3A_289 = arith.subf %broadcast_in_dim3A_256, %broadcast_in_dim3A_244 : vector<8x1xf32>
      %sub3A_290 = arith.subf %broadcast_in_dim3A_262, %broadcast_in_dim3A_250 : vector<8x1xf32>
      %mul3A_291 = arith.mulf %sub3A_289, %sub3A_290 : vector<8x1xf32>
      %add3A_292 = vector.broadcast %mul3A_291 : vector<8x1xf32> to vector<8x1536xf32>
      %add3A_293 = arith.addf %add3A_292, %mul3A : vector<8x1536xf32>
      %sub3A_294 = arith.subf %add3A_293, %mul3A_288 : vector<8x1536xf32>
      %add3A_295 = arith.constant 9.99999971E-10 : f32
      %add3A_296 = vector.broadcast %add3A_295 : f32 to vector<8x1536xf32>
      %add3A_297 = arith.addf %sub3A_294, %add3A_296 : vector<8x1536xf32>
      %div3A_298 = arith.divf %mul3A_288, %add3A_297 : vector<8x1536xf32>
      %gt3A_299 = arith.constant 4.500000e-01 : f32
      %gt3A_300 = vector.broadcast %gt3A_299 : f32 to vector<8x1536xf32>
      %gt3A_301 = arith.cmpf ogt, %div3A_298, %gt3A_300 : vector<8x1536xf32>
      %jit3A_302 = arith.constant -2147483648 : i32
      %broadcast_in_dim3A_303 = vector.broadcast %jit3A_302 : i32 to vector<8x1536xi32>
      %select_n3A_304 = arith.select %gt3A_301, %broadcast_in_dim3A_303, %get3A_217 : vector<8x1536xi1>, vector<8x1536xi32>
      %swap3A_305 = arith.constant 0 : index
      %swap3A_306 = arith.constant 0 : index
      %swap3A_307 = vector.load %arg7[%swap3A_305, %swap3A_306] : memref<8x1536xi32, #tpu.memory_space<vmem>>, vector<8x1536xi32>
      tpu.vector_store %arg7[%swap3A_305, %swap3A_306], %select_n3A_304 {strides = array<i32>} : memref<8x1536xi32, #tpu.memory_space<vmem>>, vector<8x1536xi32>,
      %sub3A_308 = arith.subf %broadcast_in_dim3A_244, %mul3A_271 : vector<8x1xf32>
      %sub3A_309 = arith.subf %broadcast_in_dim3A_250, %mul3A_271 : vector<8x1xf32>
      %sub3A_310 = arith.subf %broadcast_in_dim3A_256, %mul3A_271 : vector<8x1xf32>
      %sub3A_311 = arith.subf %broadcast_in_dim3A_262, %mul3A_271 : vector<8x1xf32>
      %concatenate3A_312 = tpu.concatenate %sub3A_308, %sub3A_309, %sub3A_310, %sub3A_311, %bitcast_convert_type3A_238, %broadcast_in_dim3A_268 in 1 : vector<8x1xf32>, vector<8x1xf32>, vector<8x1xf32>, vector<8x1xf32>, vector<8x1xf32>, vector<8x1xf32> -> vector<8x6xf32>
      %jit3A_313 = arith.constant 0.000000e+00 : f32
      %broadcast_in_dim3A_314 = vector.shape_cast %ne3A_225 : vector<8x1xi1> to vector<8x1xi1>
      %broadcast_in_dim3A_315 = vector.broadcast %broadcast_in_dim3A_314 : vector<8x1xi1> to vector<8x6xi1>
      %broadcast_in_dim3A_316 = vector.broadcast %jit3A_313 : f32 to vector<8x6xf32>
      %select_n3A_317 = arith.select %broadcast_in_dim3A_315, %concatenate3A_312, %broadcast_in_dim3A_316 : vector<8x6xi1>, vector<8x6xf32>
      %broadcast_in_dim3A_318 = vector.shape_cast %select_n3A_317 : vector<8x6xf32> to vector<1x8x6xf32>
      %swap3A_319 = arith.index_cast %scan3A_214 : i32 to index
      %swap3A_320 = arith.constant 0 : index
      %swap3A_321 = arith.constant 0 : index
      %swap3A_322 = vector.load %arg6[%swap3A_319, %swap3A_320, %swap3A_321] : memref<300x8x6xf32, #tpu.memory_space<vmem>>, vector<1x8x6xf32>
      tpu.vector_store %arg6[%swap3A_319, %swap3A_320, %swap3A_321], %broadcast_in_dim3A_318 {strides = array<i32>} : memref<300x8x6xf32, #tpu.memory_space<vmem>>, vector<1x8x6xf32>,
      %scan3A_323 = arith.constant 2 : i32
      %scan3A_324 = arith.addi %scan3A_112, %scan3A_323 : i32
      %get3A_325 = arith.constant 0 : index
      %get3A_326 = arith.constant 0 : index
      %get3A_327 = vector.load %arg7[%get3A_325, %get3A_326] : memref<8x1536xi32, #tpu.memory_space<vmem>>, vector<8x1536xi32>
      %reduce_max3A_328 = arith.constant dense<-2147483648> : vector<8xi32>
      %reduce_max3A_329 = vector.multi_reduction <maxsi>, %get3A_327, %reduce_max3A_328 [1] : vector<8x1536xi32> to vector<8xi32>
      %broadcast_in_dim3A_330 = vector.shape_cast %reduce_max3A_329 : vector<8xi32> to vector<8x1xi32>
      %eq3A_331 = vector.broadcast %broadcast_in_dim3A_330 : vector<8x1xi32> to vector<8x1536xi32>
      %eq3A_332 = arith.cmpi eq, %get3A_327, %eq3A_331 : vector<8x1536xi32>
      %ne3A_333 = arith.constant -2147483648 : i32
      %ne3A_334 = vector.broadcast %ne3A_333 : i32 to vector<8x1xi32>
      %ne3A_335 = arith.cmpi ne, %broadcast_in_dim3A_330, %ne3A_334 : vector<8x1xi32>
      %xor3A_336 = arith.constant -2147483648 : i32
      %xor3A_337 = vector.broadcast %xor3A_336 : i32 to vector<8x1xi32>
      %xor3A_338 = arith.xori %broadcast_in_dim3A_330, %xor3A_337 : vector<8x1xi32>
      %shift_right_logical3A_339 = arith.constant 9 : i32
      %shift_right_logical3A_340 = vector.broadcast %shift_right_logical3A_339 : i32 to vector<8x1xi32>
      %shift_right_logical3A_341 = arith.shrui %xor3A_338, %shift_right_logical3A_340 : vector<8x1xi32>
      %and3A_342 = arith.constant 8388607 : i32
      %and3A_343 = vector.broadcast %and3A_342 : i32 to vector<8x1xi32>
      %and3A_344 = arith.andi %shift_right_logical3A_341, %and3A_343 : vector<8x1xi32>
      %or3A_345 = arith.constant 1056964608 : i32
      %or3A_346 = vector.broadcast %or3A_345 : i32 to vector<8x1xi32>
      %or3A_347 = arith.ori %or3A_346, %and3A_344 : vector<8x1xi32>
      %bitcast_convert_type3A_348 = tpu.bitcast %or3A_347 : vector<8x1xi32> -> vector<8x1xf32>
      %jit3A_349 = arith.constant 0.000000e+00 : f32
      %broadcast_in_dim3A_350 = vector.broadcast %jit3A_349 : f32 to vector<8x1536xf32>
      %select_n3A_351 = arith.select %eq3A_332, %get3A_1, %broadcast_in_dim3A_350 : vector<8x1536xi1>, vector<8x1536xf32>
      %reduce_sum3A_352 = arith.constant dense<0.000000e+00> : vector<8xf32>
      %reduce_sum3A_353 = vector.multi_reduction <add>, %select_n3A_351, %reduce_sum3A_352 [1] : vector<8x1536xf32> to vector<8xf32>
      %broadcast_in_dim3A_354 = vector.shape_cast %reduce_sum3A_353 : vector<8xf32> to vector<8x1xf32>
      %jit3A_355 = arith.constant 0.000000e+00 : f32
      %broadcast_in_dim3A_356 = vector.broadcast %jit3A_355 : f32 to vector<8x1536xf32>
      %select_n3A_357 = arith.select %eq3A_332, %get3A_4, %broadcast_in_dim3A_356 : vector<8x1536xi1>, vector<8x1536xf32>
      %reduce_sum3A_358 = arith.constant dense<0.000000e+00> : vector<8xf32>
      %reduce_sum3A_359 = vector.multi_reduction <add>, %select_n3A_357, %reduce_sum3A_358 [1] : vector<8x1536xf32> to vector<8xf32>
      %broadcast_in_dim3A_360 = vector.shape_cast %reduce_sum3A_359 : vector<8xf32> to vector<8x1xf32>
      %jit3A_361 = arith.constant 0.000000e+00 : f32
      %broadcast_in_dim3A_362 = vector.broadcast %jit3A_361 : f32 to vector<8x1536xf32>
      %select_n3A_363 = arith.select %eq3A_332, %get3A_7, %broadcast_in_dim3A_362 : vector<8x1536xi1>, vector<8x1536xf32>
      %reduce_sum3A_364 = arith.constant dense<0.000000e+00> : vector<8xf32>
      %reduce_sum3A_365 = vector.multi_reduction <add>, %select_n3A_363, %reduce_sum3A_364 [1] : vector<8x1536xf32> to vector<8xf32>
      %broadcast_in_dim3A_366 = vector.shape_cast %reduce_sum3A_365 : vector<8xf32> to vector<8x1xf32>
      %jit3A_367 = arith.constant 0.000000e+00 : f32
      %broadcast_in_dim3A_368 = vector.broadcast %jit3A_367 : f32 to vector<8x1536xf32>
      %select_n3A_369 = arith.select %eq3A_332, %get3A_10, %broadcast_in_dim3A_368 : vector<8x1536xi1>, vector<8x1536xf32>
      %reduce_sum3A_370 = arith.constant dense<0.000000e+00> : vector<8xf32>
      %reduce_sum3A_371 = vector.multi_reduction <add>, %select_n3A_369, %reduce_sum3A_370 [1] : vector<8x1536xf32> to vector<8xf32>
      %broadcast_in_dim3A_372 = vector.shape_cast %reduce_sum3A_371 : vector<8xf32> to vector<8x1xf32>
      %jit3A_373 = arith.constant 0.000000e+00 : f32
      %broadcast_in_dim3A_374 = vector.broadcast %jit3A_373 : f32 to vector<8x1536xf32>
      %select_n3A_375 = arith.select %eq3A_332, %get3A_14, %broadcast_in_dim3A_374 : vector<8x1536xi1>, vector<8x1536xf32>
      %reduce_sum3A_376 = arith.constant dense<0.000000e+00> : vector<8xf32>
      %reduce_sum3A_377 = vector.multi_reduction <add>, %select_n3A_375, %reduce_sum3A_376 [1] : vector<8x1536xf32> to vector<8xf32>
      %broadcast_in_dim3A_378 = vector.shape_cast %reduce_sum3A_377 : vector<8xf32> to vector<8x1xf32>
      %mul3A_379 = arith.constant 4.096000e+03 : f32
      %mul3A_380 = vector.broadcast %mul3A_379 : f32 to vector<8x1xf32>
      %mul3A_381 = arith.mulf %broadcast_in_dim3A_378, %mul3A_380 : vector<8x1xf32>
      %min3A_382 = vector.broadcast %broadcast_in_dim3A_366 : vector<8x1xf32> to vector<8x1536xf32>
      %min3A_383 = arith.minimumf %min3A_382, %get3A_7 : vector<8x1536xf32>
      %max3A_384 = vector.broadcast %broadcast_in_dim3A_354 : vector<8x1xf32> to vector<8x1536xf32>
      %max3A_385 = arith.maximumf %max3A_384, %get3A_1 : vector<8x1536xf32>
      %sub3A_386 = arith.subf %min3A_383, %max3A_385 : vector<8x1536xf32>
      %jit3A_387 = arith.constant 0.000000e+00 : f32
      %max3A_388 = vector.broadcast %jit3A_387 : f32 to vector<8x1536xf32>
      %max3A_389 = arith.maximumf %max3A_388, %sub3A_386 : vector<8x1536xf32>
      %min3A_390 = vector.broadcast %broadcast_in_dim3A_372 : vector<8x1xf32> to vector<8x1536xf32>
      %min3A_391 = arith.minimumf %min3A_390, %get3A_10 : vector<8x1536xf32>
      %max3A_392 = vector.broadcast %broadcast_in_dim3A_360 : vector<8x1xf32> to vector<8x1536xf32>
      %max3A_393 = arith.maximumf %max3A_392, %get3A_4 : vector<8x1536xf32>
      %sub3A_394 = arith.subf %min3A_391, %max3A_393 : vector<8x1536xf32>
      %jit3A_395 = arith.constant 0.000000e+00 : f32
      %max3A_396 = vector.broadcast %jit3A_395 : f32 to vector<8x1536xf32>
      %max3A_397 = arith.maximumf %max3A_396, %sub3A_394 : vector<8x1536xf32>
      %mul3A_398 = arith.mulf %max3A_389, %max3A_397 : vector<8x1536xf32>
      %sub3A_399 = arith.subf %broadcast_in_dim3A_366, %broadcast_in_dim3A_354 : vector<8x1xf32>
      %sub3A_400 = arith.subf %broadcast_in_dim3A_372, %broadcast_in_dim3A_360 : vector<8x1xf32>
      %mul3A_401 = arith.mulf %sub3A_399, %sub3A_400 : vector<8x1xf32>
      %add3A_402 = vector.broadcast %mul3A_401 : vector<8x1xf32> to vector<8x1536xf32>
      %add3A_403 = arith.addf %add3A_402, %mul3A : vector<8x1536xf32>
      %sub3A_404 = arith.subf %add3A_403, %mul3A_398 : vector<8x1536xf32>
      %add3A_405 = arith.constant 9.99999971E-10 : f32
      %add3A_406 = vector.broadcast %add3A_405 : f32 to vector<8x1536xf32>
      %add3A_407 = arith.addf %sub3A_404, %add3A_406 : vector<8x1536xf32>
      %div3A_408 = arith.divf %mul3A_398, %add3A_407 : vector<8x1536xf32>
      %gt3A_409 = arith.constant 4.500000e-01 : f32
      %gt3A_410 = vector.broadcast %gt3A_409 : f32 to vector<8x1536xf32>
      %gt3A_411 = arith.cmpf ogt, %div3A_408, %gt3A_410 : vector<8x1536xf32>
      %jit3A_412 = arith.constant -2147483648 : i32
      %broadcast_in_dim3A_413 = vector.broadcast %jit3A_412 : i32 to vector<8x1536xi32>
      %select_n3A_414 = arith.select %gt3A_411, %broadcast_in_dim3A_413, %get3A_327 : vector<8x1536xi1>, vector<8x1536xi32>
      %swap3A_415 = arith.constant 0 : index
      %swap3A_416 = arith.constant 0 : index
      %swap3A_417 = vector.load %arg7[%swap3A_415, %swap3A_416] : memref<8x1536xi32, #tpu.memory_space<vmem>>, vector<8x1536xi32>
      tpu.vector_store %arg7[%swap3A_415, %swap3A_416], %select_n3A_414 {strides = array<i32>} : memref<8x1536xi32, #tpu.memory_space<vmem>>, vector<8x1536xi32>,
      %sub3A_418 = arith.subf %broadcast_in_dim3A_354, %mul3A_381 : vector<8x1xf32>
      %sub3A_419 = arith.subf %broadcast_in_dim3A_360, %mul3A_381 : vector<8x1xf32>
      %sub3A_420 = arith.subf %broadcast_in_dim3A_366, %mul3A_381 : vector<8x1xf32>
      %sub3A_421 = arith.subf %broadcast_in_dim3A_372, %mul3A_381 : vector<8x1xf32>
      %concatenate3A_422 = tpu.concatenate %sub3A_418, %sub3A_419, %sub3A_420, %sub3A_421, %bitcast_convert_type3A_348, %broadcast_in_dim3A_378 in 1 : vector<8x1xf32>, vector<8x1xf32>, vector<8x1xf32>, vector<8x1xf32>, vector<8x1xf32>, vector<8x1xf32> -> vector<8x6xf32>
      %jit3A_423 = arith.constant 0.000000e+00 : f32
      %broadcast_in_dim3A_424 = vector.shape_cast %ne3A_335 : vector<8x1xi1> to vector<8x1xi1>
      %broadcast_in_dim3A_425 = vector.broadcast %broadcast_in_dim3A_424 : vector<8x1xi1> to vector<8x6xi1>
      %broadcast_in_dim3A_426 = vector.broadcast %jit3A_423 : f32 to vector<8x6xf32>
      %select_n3A_427 = arith.select %broadcast_in_dim3A_425, %concatenate3A_422, %broadcast_in_dim3A_426 : vector<8x6xi1>, vector<8x6xf32>
      %broadcast_in_dim3A_428 = vector.shape_cast %select_n3A_427 : vector<8x6xf32> to vector<1x8x6xf32>
      %swap3A_429 = arith.index_cast %scan3A_324 : i32 to index
      %swap3A_430 = arith.constant 0 : index
      %swap3A_431 = arith.constant 0 : index
      %swap3A_432 = vector.load %arg6[%swap3A_429, %swap3A_430, %swap3A_431] : memref<300x8x6xf32, #tpu.memory_space<vmem>>, vector<1x8x6xf32>
      tpu.vector_store %arg6[%swap3A_429, %swap3A_430, %swap3A_431], %broadcast_in_dim3A_428 {strides = array<i32>} : memref<300x8x6xf32, #tpu.memory_space<vmem>>, vector<1x8x6xf32>,
      %scan3A_433 = arith.constant 3 : i32
      %scan3A_434 = arith.addi %scan3A_112, %scan3A_433 : i32
      %get3A_435 = arith.constant 0 : index
      %get3A_436 = arith.constant 0 : index
      %get3A_437 = vector.load %arg7[%get3A_435, %get3A_436] : memref<8x1536xi32, #tpu.memory_space<vmem>>, vector<8x1536xi32>
      %reduce_max3A_438 = arith.constant dense<-2147483648> : vector<8xi32>
      %reduce_max3A_439 = vector.multi_reduction <maxsi>, %get3A_437, %reduce_max3A_438 [1] : vector<8x1536xi32> to vector<8xi32>
      %broadcast_in_dim3A_440 = vector.shape_cast %reduce_max3A_439 : vector<8xi32> to vector<8x1xi32>
      %eq3A_441 = vector.broadcast %broadcast_in_dim3A_440 : vector<8x1xi32> to vector<8x1536xi32>
      %eq3A_442 = arith.cmpi eq, %get3A_437, %eq3A_441 : vector<8x1536xi32>
      %ne3A_443 = arith.constant -2147483648 : i32
      %ne3A_444 = vector.broadcast %ne3A_443 : i32 to vector<8x1xi32>
      %ne3A_445 = arith.cmpi ne, %broadcast_in_dim3A_440, %ne3A_444 : vector<8x1xi32>
      %xor3A_446 = arith.constant -2147483648 : i32
      %xor3A_447 = vector.broadcast %xor3A_446 : i32 to vector<8x1xi32>
      %xor3A_448 = arith.xori %broadcast_in_dim3A_440, %xor3A_447 : vector<8x1xi32>
      %shift_right_logical3A_449 = arith.constant 9 : i32
      %shift_right_logical3A_450 = vector.broadcast %shift_right_logical3A_449 : i32 to vector<8x1xi32>
      %shift_right_logical3A_451 = arith.shrui %xor3A_448, %shift_right_logical3A_450 : vector<8x1xi32>
      %and3A_452 = arith.constant 8388607 : i32
      %and3A_453 = vector.broadcast %and3A_452 : i32 to vector<8x1xi32>
      %and3A_454 = arith.andi %shift_right_logical3A_451, %and3A_453 : vector<8x1xi32>
      %or3A_455 = arith.constant 1056964608 : i32
      %or3A_456 = vector.broadcast %or3A_455 : i32 to vector<8x1xi32>
      %or3A_457 = arith.ori %or3A_456, %and3A_454 : vector<8x1xi32>
      %bitcast_convert_type3A_458 = tpu.bitcast %or3A_457 : vector<8x1xi32> -> vector<8x1xf32>
      %jit3A_459 = arith.constant 0.000000e+00 : f32
      %broadcast_in_dim3A_460 = vector.broadcast %jit3A_459 : f32 to vector<8x1536xf32>
      %select_n3A_461 = arith.select %eq3A_442, %get3A_1, %broadcast_in_dim3A_460 : vector<8x1536xi1>, vector<8x1536xf32>
      %reduce_sum3A_462 = arith.constant dense<0.000000e+00> : vector<8xf32>
      %reduce_sum3A_463 = vector.multi_reduction <add>, %select_n3A_461, %reduce_sum3A_462 [1] : vector<8x1536xf32> to vector<8xf32>
      %broadcast_in_dim3A_464 = vector.shape_cast %reduce_sum3A_463 : vector<8xf32> to vector<8x1xf32>
      %jit3A_465 = arith.constant 0.000000e+00 : f32
      %broadcast_in_dim3A_466 = vector.broadcast %jit3A_465 : f32 to vector<8x1536xf32>
      %select_n3A_467 = arith.select %eq3A_442, %get3A_4, %broadcast_in_dim3A_466 : vector<8x1536xi1>, vector<8x1536xf32>
      %reduce_sum3A_468 = arith.constant dense<0.000000e+00> : vector<8xf32>
      %reduce_sum3A_469 = vector.multi_reduction <add>, %select_n3A_467, %reduce_sum3A_468 [1] : vector<8x1536xf32> to vector<8xf32>
      %broadcast_in_dim3A_470 = vector.shape_cast %reduce_sum3A_469 : vector<8xf32> to vector<8x1xf32>
      %jit3A_471 = arith.constant 0.000000e+00 : f32
      %broadcast_in_dim3A_472 = vector.broadcast %jit3A_471 : f32 to vector<8x1536xf32>
      %select_n3A_473 = arith.select %eq3A_442, %get3A_7, %broadcast_in_dim3A_472 : vector<8x1536xi1>, vector<8x1536xf32>
      %reduce_sum3A_474 = arith.constant dense<0.000000e+00> : vector<8xf32>
      %reduce_sum3A_475 = vector.multi_reduction <add>, %select_n3A_473, %reduce_sum3A_474 [1] : vector<8x1536xf32> to vector<8xf32>
      %broadcast_in_dim3A_476 = vector.shape_cast %reduce_sum3A_475 : vector<8xf32> to vector<8x1xf32>
      %jit3A_477 = arith.constant 0.000000e+00 : f32
      %broadcast_in_dim3A_478 = vector.broadcast %jit3A_477 : f32 to vector<8x1536xf32>
      %select_n3A_479 = arith.select %eq3A_442, %get3A_10, %broadcast_in_dim3A_478 : vector<8x1536xi1>, vector<8x1536xf32>
      %reduce_sum3A_480 = arith.constant dense<0.000000e+00> : vector<8xf32>
      %reduce_sum3A_481 = vector.multi_reduction <add>, %select_n3A_479, %reduce_sum3A_480 [1] : vector<8x1536xf32> to vector<8xf32>
      %broadcast_in_dim3A_482 = vector.shape_cast %reduce_sum3A_481 : vector<8xf32> to vector<8x1xf32>
      %jit3A_483 = arith.constant 0.000000e+00 : f32
      %broadcast_in_dim3A_484 = vector.broadcast %jit3A_483 : f32 to vector<8x1536xf32>
      %select_n3A_485 = arith.select %eq3A_442, %get3A_14, %broadcast_in_dim3A_484 : vector<8x1536xi1>, vector<8x1536xf32>
      %reduce_sum3A_486 = arith.constant dense<0.000000e+00> : vector<8xf32>
      %reduce_sum3A_487 = vector.multi_reduction <add>, %select_n3A_485, %reduce_sum3A_486 [1] : vector<8x1536xf32> to vector<8xf32>
      %broadcast_in_dim3A_488 = vector.shape_cast %reduce_sum3A_487 : vector<8xf32> to vector<8x1xf32>
      %mul3A_489 = arith.constant 4.096000e+03 : f32
      %mul3A_490 = vector.broadcast %mul3A_489 : f32 to vector<8x1xf32>
      %mul3A_491 = arith.mulf %broadcast_in_dim3A_488, %mul3A_490 : vector<8x1xf32>
      %min3A_492 = vector.broadcast %broadcast_in_dim3A_476 : vector<8x1xf32> to vector<8x1536xf32>
      %min3A_493 = arith.minimumf %min3A_492, %get3A_7 : vector<8x1536xf32>
      %max3A_494 = vector.broadcast %broadcast_in_dim3A_464 : vector<8x1xf32> to vector<8x1536xf32>
      %max3A_495 = arith.maximumf %max3A_494, %get3A_1 : vector<8x1536xf32>
      %sub3A_496 = arith.subf %min3A_493, %max3A_495 : vector<8x1536xf32>
      %jit3A_497 = arith.constant 0.000000e+00 : f32
      %max3A_498 = vector.broadcast %jit3A_497 : f32 to vector<8x1536xf32>
      %max3A_499 = arith.maximumf %max3A_498, %sub3A_496 : vector<8x1536xf32>
      %min3A_500 = vector.broadcast %broadcast_in_dim3A_482 : vector<8x1xf32> to vector<8x1536xf32>
      %min3A_501 = arith.minimumf %min3A_500, %get3A_10 : vector<8x1536xf32>
      %max3A_502 = vector.broadcast %broadcast_in_dim3A_470 : vector<8x1xf32> to vector<8x1536xf32>
      %max3A_503 = arith.maximumf %max3A_502, %get3A_4 : vector<8x1536xf32>
      %sub3A_504 = arith.subf %min3A_501, %max3A_503 : vector<8x1536xf32>
      %jit3A_505 = arith.constant 0.000000e+00 : f32
      %max3A_506 = vector.broadcast %jit3A_505 : f32 to vector<8x1536xf32>
      %max3A_507 = arith.maximumf %max3A_506, %sub3A_504 : vector<8x1536xf32>
      %mul3A_508 = arith.mulf %max3A_499, %max3A_507 : vector<8x1536xf32>
      %sub3A_509 = arith.subf %broadcast_in_dim3A_476, %broadcast_in_dim3A_464 : vector<8x1xf32>
      %sub3A_510 = arith.subf %broadcast_in_dim3A_482, %broadcast_in_dim3A_470 : vector<8x1xf32>
      %mul3A_511 = arith.mulf %sub3A_509, %sub3A_510 : vector<8x1xf32>
      %add3A_512 = vector.broadcast %mul3A_511 : vector<8x1xf32> to vector<8x1536xf32>
      %add3A_513 = arith.addf %add3A_512, %mul3A : vector<8x1536xf32>
      %sub3A_514 = arith.subf %add3A_513, %mul3A_508 : vector<8x1536xf32>
      %add3A_515 = arith.constant 9.99999971E-10 : f32
      %add3A_516 = vector.broadcast %add3A_515 : f32 to vector<8x1536xf32>
      %add3A_517 = arith.addf %sub3A_514, %add3A_516 : vector<8x1536xf32>
      %div3A_518 = arith.divf %mul3A_508, %add3A_517 : vector<8x1536xf32>
      %gt3A_519 = arith.constant 4.500000e-01 : f32
      %gt3A_520 = vector.broadcast %gt3A_519 : f32 to vector<8x1536xf32>
      %gt3A_521 = arith.cmpf ogt, %div3A_518, %gt3A_520 : vector<8x1536xf32>
      %jit3A_522 = arith.constant -2147483648 : i32
      %broadcast_in_dim3A_523 = vector.broadcast %jit3A_522 : i32 to vector<8x1536xi32>
      %select_n3A_524 = arith.select %gt3A_521, %broadcast_in_dim3A_523, %get3A_437 : vector<8x1536xi1>, vector<8x1536xi32>
      %swap3A_525 = arith.constant 0 : index
      %swap3A_526 = arith.constant 0 : index
      %swap3A_527 = vector.load %arg7[%swap3A_525, %swap3A_526] : memref<8x1536xi32, #tpu.memory_space<vmem>>, vector<8x1536xi32>
      tpu.vector_store %arg7[%swap3A_525, %swap3A_526], %select_n3A_524 {strides = array<i32>} : memref<8x1536xi32, #tpu.memory_space<vmem>>, vector<8x1536xi32>,
      %sub3A_528 = arith.subf %broadcast_in_dim3A_464, %mul3A_491 : vector<8x1xf32>
      %sub3A_529 = arith.subf %broadcast_in_dim3A_470, %mul3A_491 : vector<8x1xf32>
      %sub3A_530 = arith.subf %broadcast_in_dim3A_476, %mul3A_491 : vector<8x1xf32>
      %sub3A_531 = arith.subf %broadcast_in_dim3A_482, %mul3A_491 : vector<8x1xf32>
      %concatenate3A_532 = tpu.concatenate %sub3A_528, %sub3A_529, %sub3A_530, %sub3A_531, %bitcast_convert_type3A_458, %broadcast_in_dim3A_488 in 1 : vector<8x1xf32>, vector<8x1xf32>, vector<8x1xf32>, vector<8x1xf32>, vector<8x1xf32>, vector<8x1xf32> -> vector<8x6xf32>
      %jit3A_533 = arith.constant 0.000000e+00 : f32
      %broadcast_in_dim3A_534 = vector.shape_cast %ne3A_445 : vector<8x1xi1> to vector<8x1xi1>
      %broadcast_in_dim3A_535 = vector.broadcast %broadcast_in_dim3A_534 : vector<8x1xi1> to vector<8x6xi1>
      %broadcast_in_dim3A_536 = vector.broadcast %jit3A_533 : f32 to vector<8x6xf32>
      %select_n3A_537 = arith.select %broadcast_in_dim3A_535, %concatenate3A_532, %broadcast_in_dim3A_536 : vector<8x6xi1>, vector<8x6xf32>
      %broadcast_in_dim3A_538 = vector.shape_cast %select_n3A_537 : vector<8x6xf32> to vector<1x8x6xf32>
      %swap3A_539 = arith.index_cast %scan3A_434 : i32 to index
      %swap3A_540 = arith.constant 0 : index
      %swap3A_541 = arith.constant 0 : index
      %swap3A_542 = vector.load %arg6[%swap3A_539, %swap3A_540, %swap3A_541] : memref<300x8x6xf32, #tpu.memory_space<vmem>>, vector<1x8x6xf32>
      tpu.vector_store %arg6[%swap3A_539, %swap3A_540, %swap3A_541], %broadcast_in_dim3A_538 {strides = array<i32>} : memref<300x8x6xf32, #tpu.memory_space<vmem>>, vector<1x8x6xf32>,
    }
    %scan3A_111 = arith.constant 300 : i32
    return
  }
}

</mosaic_0001>

<sc_bundles>
// kernel: kernel.5.cloned.1.call-start
scs
__scs_entry_jumppad:
0x0: {  	(pc) =	sbr.rel $0x88, $3  }
0x1: {  	(tag) =	ssettag $0x0;
	lr =	simm.s32 $0x1  }
0x2: {  	[smem:$0x3FA0] =	sst lr;
	_ =	strace $0xD0000000  }
0x3: {  	_ = 	snop  }
0x4: {  	_ = 	snop  }
0x5: {  	_ = 	snop  }
0x6: {  	_ = 	snop  }
0x7: {  	_ = 	snop  }
__scs_overlays_trampoline_lowered:
0x8: {  	[smem:$0x3FAF] =	sst s0  }
0x9: {  	[smem:$0x3FB0] =	sst s1  }
0xa: {  	[smem:$0x3FB1] =	sst s2  }
0xb: {  	[smem:$0x3FB2] =	sst s3  }
0xc: {  	[smem:$0x3FB3] =	sst s4  }
0xd: {  	[smem:$0x3FB4] =	sst s5  }
0xe: {  	[smem:$0x3FB5] =	sst s6  }
0xf: {  	[smem:$0x3FB6] =	sst s7  }
0x10: {  	[smem:$0x3FB7] =	sst s8  }
0x11: {  	[smem:$0x3FB8] =	sst s9;
	s0 =	simm.s32 @!p0 $0x0  }
0x12: {  	s1 =	sld [smem:$0x3F9E];
	s0 =	simm.s32 @p0 $0x1  }
0x13: {  	[smem:$0x3FB9] =	sst s0;
	s0 =	simm.s32 @!p1 $0x0  }
0x14: {  	s2 =	sld [smem:$0x3F9D];
	s0 =	simm.s32 @p1 $0x1  }
0x15: {  	[smem:$0x3FBA] =	sst s0;
	s0 =	simm.s32 @!p2 $0x0  }
0x16: {  	s3 =	sld [smem:$0x3FDB];
	s0 =	simm.s32 @p2 $0x1  }
0x17: {  	s4 =	simm.s32 $0x1BF5;
	[smem:$0x3FBC] =	sst s0  }
0x18: {  	s0 =	sld [smem:$0x3F9F];
	_ =	swait.ge [sflag:s4], $0x0  }
0x19: {  	s7 =	sld [smem:$0x3FA0]  }
0x1a: {  	s8 =	sadd.s32 $0xFFFFE003, lr  }
0x1b: {  	s9 =	sadd.s32 $0xFFFFFEF7, lr;
	s5 =	simm.s32 $0xFFFFFFFF;
	p2 =	slt.u32 s8, $0xFFFFF086  }
0x1c: {  	p1 =	slt.u32 s9, $0xF7A;
	s5 =	simm.s32 @!p2 $0x0  }
0x1d: {  	s5 =	simm.s32 @p1 $0x1;
	p0 =	seq.s32 s7, s2  }
0x1e: {  	s7 =	smul.u32 @!p0 $0xF7A, s2;
	p2 =	seq.s32 @!p0 s5, $0x0  }
0x1f: {  	s9 =	smul.u32 $0xF7A, s1;
	s8 =	simm.s32 @!p0 $0x1BF5;
	p2 =	por !p2, p0  }
0x20: {  	[sflag:s8] =	ssyncset.s32 @!p0 $0xFFFFF086;
	s6 =	sadd.s32 @!p0 s3, s7;
	s7 =	simm.s32 @!p0 $0x108  }
0x21: {  	s3 =	sadd.s32 s3, s9;
	s6 =	sadd.s32 @!p0 $0x88, s6;
	s7 =	simm.s32 @p2 $0x1082  }
0x22: {  	[simem:s7], [sflag:s8] =	dma.local @!p0 [hbm:s6], $0xF7A  }
0x23: {  	s9 =	sor.u32 $0xD0000000, s2;
	s6 =	simm.s32 $0x108;
	_ =	swait.ge @!p0 [sflag:s8], $0x0  }
0x24: {  	s3 =	sadd.s32 $0x88, s3;
	s6 =	simm.s32 @!p1 $0x1082;
	[sflag:s4] =	ssyncset.s32 $0xFFFFF086  }
0x25: {  	[simem:s6], [sflag:s4] =	dma.local [hbm:s3], $0xF7A  }
0x26: {  	[smem:$0x3FA0] =	sst s1;
	(tag) =	ssettag s2;
	_ =	strace s9  }
0x27: {  	s1 =	sld [smem:$0x3FB0]  }
0x28: {  	s2 =	sld [smem:$0x3FB1]  }
0x29: {  	s4 =	sld [smem:$0x3FB3]  }
0x2a: {  	p0 =	seq.s32 s5, $0x0;
	s5 =	sld [smem:$0x3FB4]  }
0x2b: {  	s6 =	sld [smem:$0x3FB5]  }
0x2c: {  	s7 =	sld [smem:$0x3FB6]  }
0x2d: {  	s3 =	simm.s32 $0x108;
	s8 =	sld [smem:$0x3FB7]  }
0x2e: {  	s3 =	simm.s32 @!p0 $0x1082;
	s9 =	sld [smem:$0x3FB8]  }
0x2f: {  	lr =	sadd.s32 s0, s3;
	s0 =	sld [smem:$0x3FAF]  }
0x30: {  	s3 =	sld [smem:$0x3FB2]  }
0x31: {  	[smem:$0x3FBB] =	sst s10  }
0x32: {  	s10 =	sld [smem:$0x3FB9];
	_ =	sdelay $0x3  }
0x33: {  	p0 =	seq.s32 s10, $0x1;
	s10 =	sld [smem:$0x3FBB];
	_ =	sdelay $0x3  }
0x34: {  	[smem:$0x3FBB] =	sst s10  }
0x35: {  	s10 =	sld [smem:$0x3FBA];
	_ =	sdelay $0x3  }
0x36: {  	p1 =	seq.s32 s10, $0x1;
	s10 =	sld [smem:$0x3FBB];
	_ =	sdelay $0x3  }
0x37: {  	[smem:$0x3FBB] =	sst s10  }
0x38: {  	s10 =	sld [smem:$0x3FBC]  }
0x39: {  	_ = 	snop;
	(pc) =	sbr.ind lr, $3  }
0x3a: {  	_ = 	snop  }
0x3b: {  	_ = 	snop  }
0x3c: {  	p2 =	seq.s32 s10, $0x1;
	s10 =	sld [smem:$0x3FBB]  }
0x3d: {  	_ =	shalt  }
0x3e: {  	_ =	shalt  }
0x3f: {  	_ =	shalt  }
0x40: {  	_ =	shalt  }
0x41: {  	_ =	shalt  }
0x42: {  	_ =	shalt  }
0x43: {  	_ =	shalt  }
0x44: {  	_ =	shalt  }
0x45: {  	_ =	shalt  }
0x46: {  	_ =	shalt  }
0x47: {  	_ =	shalt  }
0x48: {  	_ =	shalt  }
0x49: {  	_ =	shalt  }
0x4a: {  	_ =	shalt  }
0x4b: {  	_ =	shalt  }
0x4c: {  	_ =	shalt  }
0x4d: {  	_ =	shalt  }
0x4e: {  	_ =	shalt  }
0x4f: {  	_ =	shalt  }
0x50: {  	_ =	shalt  }
0x51: {  	_ =	shalt  }
0x52: {  	_ =	shalt  }
0x53: {  	_ =	shalt  }
0x54: {  	_ =	shalt  }
0x55: {  	_ =	shalt  }
0x56: {  	_ =	shalt  }
0x57: {  	_ =	shalt  }
0x58: {  	_ =	shalt  }
0x59: {  	_ =	shalt  }
0x5a: {  	_ =	shalt  }
0x5b: {  	_ =	shalt  }
0x5c: {  	_ =	shalt  }
0x5d: {  	_ =	shalt  }
0x5e: {  	_ =	shalt  }
0x5f: {  	_ =	shalt  }
0x60: {  	_ =	shalt  }
0x61: {  	_ =	shalt  }
0x62: {  	_ =	shalt  }
0x63: {  	_ =	shalt  }
0x64: {  	_ =	shalt  }
0x65: {  	_ =	shalt  }
0x66: {  	_ =	shalt  }
0x67: {  	_ =	shalt  }
0x68: {  	_ =	shalt  }
0x69: {  	_ =	shalt  }
0x6a: {  	_ =	shalt  }
0x6b: {  	_ =	shalt  }
0x6c: {  	_ =	shalt  }
0x6d: {  	_ =	shalt  }
0x6e: {  	_ =	shalt  }
0x6f: {  	_ =	shalt  }
0x70: {  	_ =	shalt  }
0x71: {  	_ =	shalt  }
0x72: {  	_ =	shalt  }
0x73: {  	_ =	shalt  }
0x74: {  	_ =	shalt  }
0x75: {  	_ =	shalt  }
0x76: {  	_ =	shalt  }
0x77: {  	_ =	shalt  }
0x78: {  	_ =	shalt  }
0x79: {  	_ =	shalt  }
0x7a: {  	_ =	shalt  }
0x7b: {  	_ =	shalt  }
0x7c: {  	_ =	shalt  }
0x7d: {  	_ =	shalt  }
0x7e: {  	_ =	shalt  }
0x7f: {  	_ =	shalt  }
0x80: {  	_ =	shalt  }
0x81: {  	_ =	shalt  }
0x82: {  	_ =	shalt  }
0x83: {  	_ =	shalt  }
0x84: {  	_ =	shalt  }
0x85: {  	_ =	shalt  }
0x86: {  	_ =	shalt  }
0x87: {  	_ =	shalt  }
.Lfunc_end0:
.L_simem_size_0:
called_computation_lowered:
.L_overlay_start_0:
0x88: {  	s2 =	sld [smem:$0x3FD9]  }
0x89: {  	s3 =	sld [smem:$0x3FFE];
	_ =	sdelay $0x1  }
0x8a: {  	s1 =	srdreg.scid  }
0x8b: {  	s0 =	sand.u32 $0x1, s1  }
0x8c: {  	s17 =	sshll.u32 s0, $0xA;
	s2 =	sadd.s32 s3, s2  }
0x8d: {  	s2 =	sadd.s32 s2, s17  }
0x8e: {  	[smem:$0x3FC7] =	sst s2  }
0x8f: {  	_ = 	snop  }
0x90: {  	s2 =	sld [smem:$0x3FD0];
	(tm) =	ssettm $0x1  }
0x91: {  	s18 =	sld [smem:$0x3FFB];
	_ =	sdelay $0x3  }
0x92: {  	_ =	strace s18  }
0x93: {  	s3 =	sld [smem:$0x3FFC];
	_ =	sdelay $0x3  }
0x94: {  	_ =	strace s3  }
0x95: {  	s3 =	sld [smem:$0x3FFD];
	_ =	sdelay $0x3  }
0x96: {  	_ =	strace s3  }
0x97: {  	_ =	strace $0x8FFFFFFF  }
0x98: {  	s19 =	sld [smem:$0x3FDB];
	_ =	sdelay $0x1  }
0x99: {  	s4 =	simm.s32 $_scs_section_size  }
0x9a: {  	s5 =	simm.s32 $_size__tile_overlayer_lowered;
	s6 =	simm.s32 $_tile_overlayer_lowered  }
0x9b: {  	s22 =	simm.s32 $0x1BFF;
	s21 =	sshll.u32 s6, $0x1;
	s3 =	sadd.s32 s4, s19  }
0x9c: {  	s7 =	simm.s32 $0x0;
	s20 =	sshll.u32 s5, $0x1;
	s5 =	sadd.s32 s21, s3  }
0x9d: {  	[timem:s7], [sflag:s22] =	dma.local [hbm:s5], s20  }
0x9e: {  	_ =	swait.ge [sflag:s22], s20  }
0x9f: {  	s4 =	ssub.s32 $0x0, s20;
	[sflag:s22] =	ssyncset.done $0x0  }
0xa0: {  	[sflag:s22] =	ssyncadd.s32 s4;
	_ =	sdelay $0x1  }
0xa1: {  	s23 =	simm.s32 $0x1B8B  }
0xa2: {  	_ =	swait.ge [sflag:s23], $0x1  }
0xa3: {  	[sflag:s23] =	ssyncset.done $0x0  }
0xa4: {  	s25 =	simm.s32 $0x1B8E;
	s24 =	sld [smem:$0x3FFE];
	[sflag:s23] =	ssyncadd.s32 $0xFFFFFFFF  }
0xa5: {  	s26 =	simm.s32 $execute0_lowered;
	[smem:$0x3FD2] =	sst s25  }
0xa6: {  	s5 =	sshll.u32 s26, $0x1;
	_ =	strace $0x80000046;
	[dreg:$0x1] =	wrdreg $0xFFFFFFFF  }
0xa7: {  	s28 =	simm.s32 $_size_execute0_lowered;
	s3 =	sadd.s32 s3, s5;
	[dreg:$0x0] =	wrdreg $0x0  }
0xa8: {  	s5 =	sshll.u32 s28, $0x1;
	[dreg:$0x2] =	wrdreg s3  }
0xa9: {  	[dreg:$0x3] =	wrdreg s5  }
0xaa: {  	[dreg:$0x4] =	wrdreg $0xC0  }
0xab: {  	_ =	task [dreg:s7], $0x5FFFF  }
0xac: {  	[dreg:$0x1] =	wrdreg $0xFFFFFFFF  }
0xad: {  	[dreg:$0x0] =	wrdreg $0x60  }
0xae: {  	[dreg:$0x2] =	wrdreg s24  }
0xaf: {  	[dreg:$0x3] =	wrdreg s2  }
0xb0: {  	[dreg:$0x4] =	wrdreg $0x9  }
0xb1: {  	_ =	task.clear_ibuf [dreg:s7], $0x5FFFF;
	_ =	strace $0x90000046  }
0xb2: {  	s29 =	simm.s32 $0x9;
	_ =	strace $0x80000048  }
0xb3: {  	_ =	swait.ge [sflag:s29], $0x1  }
0xb4: {  	[sflag:s29] =	ssyncadd.s32 $0xFFFFFFFF  }
0xb5: {  	_ =	strace $0x90000048  }
0xb6: {  	_ =	sfence  }
0xb7: {  	s30 =	sld [smem:$0x0];
	_ =	sdelay $0x2  }
0xb8: {  	s31 =	sshll.u32 s1, $0xD;
	s1 =	sshrl.u32 s1, $0x2  }
0xb9: {  	s3 =	sand.u32 $0x4000, s31;
	s1 =	sadd.s32 s1, s30  }
0xba: {  	s0 =	sor.u32 s3, s0;
	s1 =	sshll.u32 s1, $0x11  }
0xbb: {  	s0 =	sor.u32 s1, s0  }
0xbc: {  	s0 =	sadd.s32 $0x8F2B, s0  }
0xbd: {  	[sflag:s0] =	ssyncadd.remote.s32 $0x1  }
0xbe: {  	_ =	sfence.sel $0xFFFF  }
0xbf: {  	[dreg:$0x0] =	wrdreg $0xFFFFFFFF;
	(pc) =	sbr.abs _section_cstart, $3  }
0xc0: {  	[dreg:$0x1] =	wrdreg $0xFFFFFFFF  }
0xc1: {  	_ =	task.clear_ibuf [dreg:s7], $0x2FFFF;
	_ =	strace $0x9FFFFFFF  }
0xc2: {  	(tm) =	ssettm $0x7FFFFFFF  }
0xc3: {  	_ =	shalt  }
tec
execute0_lowered:
.L_overlay_start_1:
0x0: {  	(tag) =	ssettag $0x1  }
0x1: {  	s0 =	rddreg [dreg:$0x0]  }
0x2: {  	s2 =	srdreg.scid;
	s5 =	stileid.u32  }
0x3: {  	s1 =	rddreg [dreg:$0x1];
	s3 =	sand.u32 $0x1, s2;
	s4 =	sand.u32 $0x3, s5  }
0x4: {  	s20 =	sshll.u32 s5, $0x5;
	s2 =	simm.s32 $0x0;
	s7 =	smul.u32 $0xA000, s4  }
0x5: {  	s21 =	sshll.u32 s3, $0x9;
	s6 =	sand.u32 $0x180, s20;
	s4 =	smul.u32 $0xC00, s4  }
0x6: {  	[smem:$0x7FF] =	sst s2;
	s5 =	sor.u32 s21, s6  }
0x7: {  	s6 =	sor.u32 s7, s5;
	s4 =	sor.u32 s4, s5;
	s5 =	sshrl.u32 s5, $0x3  }
0x8: {  	s17 =	simm.s32 $0x80;
	_ =	strace $0x80000047;
	s5 =	sadd.s32 s5, s0  }
0x9: {  	s6 =	sshrl.u32 s6, $0x3;
	s4 =	sshrl.u32 s4, $0x3;
	s5 =	sadd.s32 $0x20400, s5  }
0xa: {  	s6 =	sadd.s32 s6, s0;
	s1 =	sadd.s32 s1, s4;
	[dreg:$0x9] =	wrdreg s5  }
0xb: {  	s18 =	simm.s32 $0x400;
	s23 =	sadd.s32 $0x2400, s6;
	[dreg:$0xa] =	wrdreg s1  }
0xc: {  	s3 =	ssub.s32 $0x2, s3;
	s24 =	sadd.s32 $0x7400, s6;
	[dreg:$0x3] =	wrdreg s23  }
0xd: {  	s22 =	sshrl.u32 s3, $0x1;
	s25 =	sadd.s32 $0xC400, s6;
	[dreg:$0x4] =	wrdreg s24  }
0xe: {  	s3 =	ssub.s32 s3, s22;
	s26 =	sadd.s32 $0x11400, s6;
	[dreg:$0x5] =	wrdreg s25  }
0xf: {  	s16 =	smax.u32 s3, $0x1;
	s28 =	sadd.s32 $0x16400, s6;
	[dreg:$0x6] =	wrdreg s26  }
0x10: {  	s0 =	sadd.s32 s4, s0;
	s6 =	sadd.s32 $0x1B400, s6;
	[dreg:$0x7] =	wrdreg s28  }
0x11: {  	v0 =	vlaneseq.u32;
	s29 =	sadd.s32 $0x20600, s0;
	s30 =	sadd.s32 $0x20C00, s0;
	[dreg:$0x8] =	wrdreg s6  }
0x12: {  	v0 =	vmul.u32 $0xFFFFFFFF, v0;
	s31 =	sadd.s32 $0x21200, s0;
	s14 =	sadd.s32 $0x21800, s0;
	[dreg:$0xb] =	wrdreg s29  }
0x13: {  	v1 =	vimm.f32 $-1.000000000e+00;
	s15 =	sadd.s32 $0x21E00, s0;
	s0 =	simm.s32 $0x0;
	[dreg:$0xc] =	wrdreg s30  }
0x14: {  	v2 =	vimm.f32 $0.0e+00;
	v3 =	vimm.s32 $0x0;
	v0 =	vadd.s32 $0x8000003F, v0;
	[dreg:$0xd] =	wrdreg s31;
	s24 =	simm.s32 $0x1;
	s26 =	simm.s32 $0x2  }
.LBB2_1:
0x15: {  	s1 =	rddreg [dreg:$0x3]  }
0x16: {  	[tilespmem:s2], [sflag:$0x1] =	stream.strided.gather [hbm4b:s1+s17], $0x1400, s18, s17, $0x38;
	[tilespmem:$0x8480] =	vst v63  }
0x17: {  	s13 =	rddreg [dreg:$0x4];
	s3 =	simm.s32 $0x1400  }
0x18: {  	[tilespmem:s3], [sflag:$0x1] =	stream.strided.gather [hbm4b:s13+s17], $0x1400, s18, s17, $0x38;
	[tilespmem:$0x8480] =	vst v63  }
0x19: {  	s19 =	rddreg [dreg:$0x5];
	s20 =	simm.s32 $0x2800  }
0x1a: {  	[tilespmem:s20], [sflag:$0x1] =	stream.strided.gather [hbm4b:s19+s17], $0x1400, s18, s17, $0x38;
	[tilespmem:$0x8480] =	vst v63  }
0x1b: {  	s21 =	rddreg [dreg:$0x6];
	s22 =	simm.s32 $0x3C00  }
0x1c: {  	[tilespmem:s22], [sflag:$0x1] =	stream.strided.gather [hbm4b:s21+s17], $0x1400, s18, s17, $0x38;
	[tilespmem:$0x8480] =	vst v63  }
0x1d: {  	s23 =	rddreg [dreg:$0x7];
	s25 =	simm.s32 $0x5000  }
0x1e: {  	[tilespmem:s25], [sflag:$0x1] =	stream.strided.gather [hbm4b:s23+s17], $0x1400, s18, s17, $0x38;
	[tilespmem:$0x8480] =	vst v63  }
0x1f: {  	s28 =	rddreg [dreg:$0x8];
	s29 =	simm.s32 $0x6400  }
0x20: {  	[tilespmem:s29], [sflag:$0x1] =	stream.strided.gather [hbm4b:s28+s17], $0x1400, s18, s17, $0x38;
	[tilespmem:$0x8480] =	vst v63  }
0x21: {  	s30 =	simm.s32 $0x8400;
	s31 =	rddreg [dreg:$0x9]  }
0x22: {  	[tilespmem:s30], [sflag:$0x1] =	stream.linear.gather [hbm4b:s31+s2], $0x80, $0x38;
	[tilespmem:$0x8480] =	vst v63  }
0x23: {  	_ =	swait.ge [sflag:s24], $0x1400  }
0x24: {  	[sflag:s24] =	ssyncset.done $0x0  }
0x25: {  	[sflag:s24] =	ssyncadd.s32 $0xFFFFEC00  }
0x26: {  	_ =	swait.ge [sflag:s24], $0x1400  }
0x27: {  	[sflag:s24] =	ssyncset.done $0x0  }
0x28: {  	[sflag:s24] =	ssyncadd.s32 $0xFFFFEC00  }
0x29: {  	_ =	swait.ge [sflag:s24], $0x1400  }
0x2a: {  	[sflag:s24] =	ssyncset.done $0x0  }
0x2b: {  	[sflag:s24] =	ssyncadd.s32 $0xFFFFEC00  }
0x2c: {  	_ =	swait.ge [sflag:s24], $0x1400  }
0x2d: {  	[sflag:s24] =	ssyncset.done $0x0  }
0x2e: {  	[sflag:s24] =	ssyncadd.s32 $0xFFFFEC00  }
0x2f: {  	_ =	swait.ge [sflag:s24], $0x1400  }
0x30: {  	[sflag:s24] =	ssyncset.done $0x0  }
0x31: {  	[sflag:s24] =	ssyncadd.s32 $0xFFFFEC00  }
0x32: {  	_ =	swait.ge [sflag:s24], $0x1400  }
0x33: {  	p5 =	por $0x0, $0x0;
	[sflag:s24] =	ssyncset.done $0x0  }
.Ltmp0:
0x34: {  	[sflag:s24] =	ssyncadd.s32 $0xFFFFEC00;
	(pc) =	sbr.rel @p5 .LBB2_2-.Ltmp0, $4  }
0x35: {  	_ =	swait.ge [sflag:s24], $0x80  }
0x36: {  	[sflag:s24] =	ssyncset.done $0x0  }
0x37: {  	[sflag:s24] =	ssyncadd.s32 $0xFFFFFF80  }
0x38: {  	s10 =	simm.s32 $0x10;
	s19 =	simm.s32 $0xFFFFFFFF;
	s20 =	simm.f32 $0.0e+00;
	v4 =	vld [tilespmem:s30+$0x0]  }
0x39: {  	p5 =	por $0x0, $0x0  }
.Ltmp1:
0x3a: {  	_ = 	snop;
	(pc) =	sbr.rel @p5 .LBB2_4-.Ltmp1, $3  }
0x3b: {  	_ =	sdelay $0x1  }
0x3c: {  	s1 =	simm.s32 $0x8410  }
0x3d: {  	s28 =	simm.s32 $0x20;
	(xrf2) =	vadd.scan.msk.f32 $0xffff, v4;
	v4 =	vld [tilespmem:s1+$0x0]  }
0x3e: {  	p5 =	por $0x0, $0x0  }
.Ltmp2:
0x3f: {  	_ = 	snop;
	(pc) =	sbr.rel @p5 .LBB2_6-.Ltmp2, $3  }
0x40: {  	_ =	sdelay $0x1  }
0x41: {  	s1 =	simm.s32 $0x8420  }
0x42: {  	s30 =	simm.s32 $0x30;
	(xrf2) =	vadd.scan.msk.f32 $0xffff, v4;
	v4 =	vld [tilespmem:s1+$0x0]  }
0x43: {  	p5 =	por $0x1, $0x1  }
.Ltmp3:
0x44: {  	_ = 	snop;
	(pc) =	sbr.rel @p5 .LBB2_8-.Ltmp3, $3  }
0x45: {  	_ =	sdelay $0x1  }
0x46: {  	s1 =	simm.s32 $0x8430;
	v6, _, _ =	vpop (xrf2)  }
0x47: {  	s22 =	simm.s32 $0x40;
	(xrf2) =	vadd.scan.msk.f32 $0xffff, v4;
	(v2sf) =	vpush v6, $0xF;
	v4 =	vld [tilespmem:s1+$0x0]  }
0x48: {  	p5 =	por $0x0, $0x0  }
.Ltmp4:
0x49: {  	_ = 	snop;
	(pc) =	sbr.rel @p5 .LBB2_10-.Ltmp4, $3  }
0x4a: {  	_ =	sdelay $0x1  }
0x4b: {  	s3 =	simm.s32 $0x8440;
	v7, _, _ =	vpop (xrf2)  }
0x4c: {  	s1 =	simm.s32 $0x50;
	(xrf2) =	vadd.scan.msk.f32 $0xffff, v4;
	(v2sf) =	vpush v7, $0xF;
	v4 =	vld [tilespmem:s3+$0x0]  }
0x4d: {  	_ =	sdelay $0x3  }
0x4e: {  	p5 =	por $0x0, $0x0  }
.Ltmp5:
0x4f: {  	v6 =	vadd.f32 s20, v6;
	(pc) =	sbr.rel @p5 .LBB2_12-.Ltmp5, $4  }
0x50: {  	v8 =	vmov s2  }
0x51: {  	vm0 =	vge.f32 v6, $1.152000000e+03;
	v6 =	vsub.s32 v0, v8  }
0x52: {  	s3 =	simm.s32 $0x8450;
	v5, _, _ =	vpop (xrf2);
	v6 =	vnsel vm0, $0x7FFFFFFF, v6;
	(xrf2) =	vadd.scan.msk.f32 $0xffff, v4;
	s5 =	spop (v2sf)  }
0x53: {  	s4 =	simm.s32 $0x60;
	v4 =	vld [tilespmem:s3+$0x0];
	(v2sf) =	vpush v5, $0xF;
	(xrf0) =	vmax.scan.msk.u32 $0xffff, v6;
	s3 =	sadd.f32 s5, s20  }
0x54: {  	p5 =	por $0x0, $0x0  }
.Ltmp6:
0x55: {  	v6 =	vadd.f32 s3, v7;
	(pc) =	sbr.rel @p5 .LBB2_14-.Ltmp6, $4  }
0x56: {  	v7 =	vmov s10  }
0x57: {  	vm0 =	vge.f32 v6, $1.152000000e+03;
	v6 =	vsub.s32 v0, v7  }
0x58: {  	v9, _, _ =	vpop (xrf2);
	s5 =	simm.s32 $0x8460;
	(xrf2) =	vadd.scan.msk.f32 $0xffff, v4;
	v6 =	vnsel vm0, $0x7FFFFFFF, v6;
	s6 =	spop (v2sf)  }
0x59: {  	s21 =	simm.s32 $0x70;
	(v2sf) =	vpush v9, $0xF;
	v4 =	vld [tilespmem:s5+$0x0];
	s31 =	sadd.f32 s6, s3;
	(xrf0) =	vmax.scan.msk.u32 $0xffff, v6;
	v8, _, _ =	vpop (xrf0)  }
0x5a: {  	_ =	sdelay $0x3  }
0x5b: {  	p5 =	por $0x0, $0x0  }
.Ltmp7:
0x5c: {  	v6 =	vadd.f32 s31, v5;
	(pc) =	sbr.rel @p5 .LBB2_16-.Ltmp7, $4  }
0x5d: {  	v10 =	vmov s28  }
0x5e: {  	vm0 =	vge.f32 v6, $1.152000000e+03;
	v6 =	vsub.s32 v0, v10  }
0x5f: {  	(v2sf) =	vpush v8, $0xF;
	s5 =	simm.s32 $0x8470;
	v7, _, _ =	vpop (xrf2);
	(xrf2) =	vadd.scan.msk.f32 $0xffff, v4;
	v6 =	vnsel vm0, $0x7FFFFFFF, v6;
	s6 =	spop (v2sf)  }
0x60: {  	s10 =	simm.s32 $0x80;
	p0 =	por $0x1, $0x1;
	(v2sf) =	vpush v7, $0xF;
	v4 =	vld [tilespmem:s5+$0x0];
	(xrf0) =	vmax.scan.msk.u32 $0xffff, v6;
	v10, _, _ =	vpop (xrf0);
	s7 =	sadd.f32 s6, s31  }
0x61: {  	s5 =	simm.s32 @!p0 $0x0  }
0x62: {  	s5 =	simm.s32 @p0 $0x1;
	p0 =	por $0x1, $0x1  }
0x63: {  	[smem:$0x7F7] =	sst s5;
	s5 =	simm.s32 @!p0 $0x0  }
0x64: {  	p1 =	por $0x1, $0x1;
	s5 =	simm.s32 @p0 $0x1  }
0x65: {  	v12, _, _ =	vpop (xrf2);
	(v2sf) =	vpush v10, $0xF;
	[smem:$0x7F8] =	sst s5;
	s5 =	simm.s32 @!p1 $0x0  }
0x66: {  	p2 =	por $0x1, $0x1;
	s6 =	spop (v2sf);
	(v2sf) =	vpush v12, $0xF;
	s5 =	simm.s32 @p1 $0x1  }
0x67: {  	(xrf2) =	vadd.scan.msk.f32 $0xffff, v4;
	[smem:$0x7F9] =	sst s5;
	s5 =	simm.s32 @!p2 $0x0  }
0x68: {  	s5 =	simm.s32 @p2 $0x1;
	p2 =	por $0x1, $0x1  }
0x69: {  	[smem:$0x7FA] =	sst s5;
	s5 =	simm.s32 @!p2 $0x0  }
0x6a: {  	p3 =	por $0x1, $0x1;
	p5 =	por $0x0, $0x0;
	s5 =	simm.s32 @p2 $0x1  }
.Ltmp8:
0x6b: {  	v6 =	vadd.f32 s7, v9;
	[smem:$0x7FB] =	sst s5;
	s5 =	simm.s32 @!p3 $0x0;
	(pc) =	sbr.rel @p5 .LBB2_18-.Ltmp8, $4  }
0x6c: {  	p4 =	por $0x1, $0x1;
	v11 =	vmov s30;
	s5 =	simm.s32 @p3 $0x1  }
0x6d: {  	vm0 =	vge.f32 v6, $1.152000000e+03;
	v6 =	vsub.s32 v0, v11;
	[smem:$0x7FC] =	sst s5;
	s5 =	simm.s32 @!p4 $0x0  }
0x6e: {  	s29 =	simm.s32 $0x8480;
	v6 =	vnsel vm0, $0x7FFFFFFF, v6;
	s20 =	sadd.f32 s6, s7;
	s5 =	simm.s32 @p4 $0x1  }
0x6f: {  	s23 =	simm.s32 $0x90;
	p0 =	por $0x1, $0x1;
	v4 =	vld [tilespmem:s29+$0x0];
	(xrf0) =	vmax.scan.msk.u32 $0xffff, v6;
	v14, _, _ =	vpop (xrf0);
	[smem:$0x7FD] =	sst s5  }
0x70: {  	v6 =	vadd.f32 s20, v7;
	_ =	sdelay $0x3  }
0x71: {  	(v2sf) =	vpush v14, $0xF;
	vm0 =	vge.f32 v6, $1.152000000e+03;
	v6, _, _ =	vpop (xrf2)  }
0x72: {  	(v2sf) =	vpush v6, $0xF;
	_ =	sdelay $0x2  }
0x73: {  	p5 =	por $0x0, $0x0;
	v11 =	vmov s22  }
.Ltmp9:
0x74: {  	v11 =	vsub.s32 v0, v11;
	(pc) =	sbr.rel @p5 .LBB2_20-.Ltmp9, $4  }
0x75: {  	s9 =	simm.s32 $0xA0;
	s5 =	spop (v2sf);
	v11 =	vnsel vm0, $0x7FFFFFFF, v11;
	(xrf2) =	vadd.scan.msk.f32 $0xffff, v4  }
0x76: {  	s11 =	simm.s32 $0x8490;
	p3 =	por $0x1, $0x1;
	s8 =	simm.s32 $0xFFFFFFFF  }
0x77: {  	s6 =	spop (v2sf);
	s12 =	sxor.u32 $0x80000000, s5;
	s5 =	simm.s32 $0x60;
	v4 =	vld [tilespmem:s11+$0x0]  }
0x78: {  	s25 =	sadd.f32 s6, s20;
	p6 =	slt.s32 s12, $0xFFFFFFFF;
	s6 =	simm.s32 $0x50;
	(xrf0) =	vmax.scan.msk.u32 $0xffff, v11;
	v13, _, _ =	vpop (xrf0);
	v11 =	vmov v12  }
.LBB2_21:
0x79: {  	s29 =	smov.u32 s8;
	p5 =	seq.s32 s9, $0x30;
	s8 =	smov.u32 s12  }
0x7a: {  	v15, _, _ =	vpop (xrf2);
	(v2sf) =	vpush v13, $0xF;
	s8 =	smov.u32 @p6 s29;
	s29 =	smov.u32 s9;
	s9 =	sadd.s32 $0x10, s9  }
.Ltmp10:
0x7b: {  	v13 =	vadd.f32 s25, v11;
	v11 =	vmovc v6;
	(v2sf) =	vpush v15, $0xF;
	v6 =	vmov v15;
	(pc) =	sbr.rel @!p5 .LBB2_21-.Ltmp10, $4  }
0x7c: {  	s11 =	sadd.s32 $0x10, s11;
	v15 =	vmov s6;
	s6 =	smov.u32 s5;
	s5 =	smov.u32 s21;
	(xrf2) =	vadd.scan.msk.f32 $0xffff, v4  }
0x7d: {  	s21 =	smov.u32 s10;
	s10 =	smov.u32 s23;
	vm0 =	vge.f32 v13, $1.152000000e+03;
	v16 =	vsub.s32 v0, v15;
	v4 =	vld [tilespmem:s11+$0x0];
	s12 =	spop (v2sf)  }
0x7e: {  	s23 =	smov.u32 s29;
	v15 =	vnsel vm0, $0x7FFFFFFF, v16;
	s13 =	spop (v2sf);
	s12 =	sxor.u32 $0x80000000, s12  }
0x7f: {  	s25 =	sadd.f32 s13, s25;
	(xrf0) =	vmax.scan.msk.u32 $0xffff, v15;
	v13, _, _ =	vpop (xrf0);
	p6 =	sgt.s32 s8, s12  }
0x80: {  	s9 =	smov.u32 s21;
	s21 =	smov.u32 s10;
	s10 =	smov.u32 s23  }
.LBB2_23:
0x81: {  	s13 =	sld [smem:$0x7FD]  }
0x82: {  	s11 =	sld [smem:$0x7F8]  }
0x83: {  	s23 =	sld [smem:$0x7FC]  }
0x84: {  	p2 =	seq.s32 s13, $0x1  }
0x85: {  	p1 =	seq.s32 s11, $0x1;
	s11 =	simm.s32 @!p2 $0x0  }
0x86: {  	s29 =	sld [smem:$0x7FB];
	p4 =	seq.s32 s23, $0x1;
	s11 =	simm.s32 @p2 $0x1  }
0x87: {  	v15, _, _ =	vpop @p1 (xrf2);
	(v2sf) =	vpush @p2 v13, $0xF;
	[smem:$0x7FD] =	sst s11;
	s11 =	simm.s32 @!p4 $0x0  }
0x88: {  	s13 =	sld [smem:$0x7F7];
	(v2sf) =	vpush @p1 v15, $0xF;
	s11 =	simm.s32 @p4 $0x1  }
0x89: {  	v13, _, _ =	vpop @p4 (xrf0);
	p2 =	seq.s32 s29, $0x1;
	[smem:$0x7FC] =	sst s11;
	s11 =	spop @p0 (v2sf)  }
0x8a: {  	v13 =	vpsel p4, v13, v14;
	v14 =	vmov @p2 s6;
	s6 =	spop @p2 (v2sf)  }
0x8b: {  	v11 =	vadd.f32 @p2 s25, v11;
	(v2sf) =	vpush @p4 v13, $0xF;
	p4 =	por p0, p0;
	p0 =	seq.s32 s13, $0x1;
	s13 =	sld [smem:$0x7FA]  }
0x8c: {  	p5 =	por !p6, !p3;
	s23 =	sld [smem:$0x7F9]  }
0x8d: {  	s8 =	smov.u32 @p5 s12;
	s12 =	simm.s32 $0xFFFFFFFF;
	vm0 =	vge.f32 @p2 v11, $1.152000000e+03;
	v11 =	vsub.s32 @p2 v0, v14;
	s6 =	sadd.f32 @p2 s6, s25  }
0x8e: {  	s12 =	smov.u32 @p3 s8;
	(xrf2) =	vadd.scan.msk.f32 $0xffff, v4;
	v4 =	vnsel @p2 vm0, $0x7FFFFFFF, v11;
	v13, _, _ =	vpop @p0 (xrf2);
	p6 =	seq.s32 s13, $0x1  }
0x8f: {  	p3 =	seq.s32 s23, $0x1;
	(xrf0) =	vmax.scan.msk.u32 @p2 $0xffff, v4;
	(v2sf) =	vpush @p0 v13, $0xF;
	s20 =	smov.u32 @p2 s6;
	s6 =	smov.u32 s22;
	v4 =	vpsel p6, v6, v7  }
0x90: {  	s6 =	smov.u32 @p6 s5;
	s5 =	spop @p3 (v2sf);
	v4 =	vadd.f32 @p6 s20, v4  }
0x91: {  	s8 =	sxor.u32 @p4 $0x80000000, s11;
	s25 =	sld [smem:$0x7FD];
	v6 =	vmov @p1 v15;
	v11 =	vmov @p6 s6;
	s6 =	spop @p6 (v2sf)  }
0x92: {  	s1 =	smov.u32 @p1 s9;
	p5 =	sgt.s32 @p4 s12, s8;
	v6 =	vpsel p1, v6, v12;
	s6 =	sadd.f32 @p6 s6, s20;
	vm0 =	vge.f32 @p6 v4, $1.152000000e+03;
	v4 =	vsub.s32 @p6 v0, v11  }
0x93: {  	s30 =	smov.u32 @p1 s1;
	s8 =	smov.u32 @p4 s8;
	p5 =	por @!p4 p0, p0;
	v4 =	vnsel @p6 vm0, $0x7FFFFFFF, v4  }
0x94: {  	p5 =	por !p5, !p4;
	s7 =	smov.u32 @p6 s6;
	s6 =	smov.u32 @p0 s21;
	(xrf0) =	vmax.scan.msk.u32 @p6 $0xffff, v4;
	v4 =	vpsel p1, v6, v9  }
0x95: {  	s12 =	smov.u32 @p5 s8;
	p5 =	seq.s32 s25, $0x1;
	v6 =	vmov @p0 v13;
	s4 =	smov.u32 @p0 s6;
	v4 =	vadd.f32 @p1 s7, v4  }
0x96: {  	s1 =	spop @p5 (v2sf);
	v6 =	vpsel p0, v6, v7;
	v7 =	vmov @p1 s30;
	s22 =	smov.u32 @p0 s4  }
0x97: {  	s6 =	spop @p1 (v2sf);
	s4 =	smov.u32 @p0 s22;
	vm0 =	vge.f32 @p1 v4, $1.152000000e+03;
	v4 =	vsub.s32 @p1 v0, v7  }
0x98: {  	s6 =	sadd.f32 @p1 s6, s7;
	s28 =	smov.u32 @p0 s4;
	v4 =	vnsel @p1 vm0, $0x7FFFFFFF, v4  }
0x99: {  	v9, _, _ =	vpop @p2 (xrf0);
	(xrf0) =	vmax.scan.msk.u32 @p1 $0xffff, v4;
	v4 =	vpsel p0, v6, v5;
	v6 =	vmov @p0 s28;
	s28 =	sld [smem:$0x7FC]  }
0x9a: {  	v9 =	vpsel p2, v9, v10;
	s31 =	smov.u32 @p1 s6  }
0x9b: {  	s29 =	sld [smem:$0x7FD];
	s8 =	simm.s32 $0xFFFFFFFF;
	(v2sf) =	vpush @p2 v9, $0xF;
	v4 =	vadd.f32 @p0 s31, v4  }
0x9c: {  	s5 =	sxor.u32 @p3 $0x80000000, s5;
	s8 =	smov.u32 @p4 s12;
	p4 =	seq.s32 s28, $0x1  }
0x9d: {  	v63, _, _ =	vpop (xrf2);
	p5 =	sgt.s32 @p3 s8, s5;
	s4 =	smov.u32 @p3 s5;
	vm0 =	vge.f32 @p0 v4, $1.152000000e+03;
	v4 =	vsub.s32 @p0 v0, v6;
	s5 =	spop @p4 (v2sf)  }
0x9e: {  	p5 =	por @!p3 p0, p0;
	(v2sf) =	vpush v63, $0xF;
	v5, _, _ =	vpop @p6 (xrf0);
	v4 =	vnsel @p0 vm0, $0x7FFFFFFF, v4;
	s6 =	spop @p0 (v2sf)  }
0x9f: {  	p5 =	por !p5, !p3;
	v5 =	vpsel p6, v5, v8;
	s6 =	sadd.f32 @p0 s6, s31  }
0xa0: {  	s8 =	smov.u32 @p5 s4;
	s4 =	simm.s32 $0xFFFFFFFF;
	(v2sf) =	vpush @p6 v5, $0xF;
	p4 =	seq.s32 s29, $0x1  }
0xa1: {  	s4 =	smov.u32 @p3 s8;
	s1 =	sxor.u32 @p4 $0x80000000, s1;
	(xrf0) =	vmax.scan.msk.u32 @p0 $0xffff, v4;
	v4, _, _ =	vpop @p1 (xrf0);
	s3 =	smov.u32 @p0 s6  }
0xa2: {  	s30 =	sld [smem:$0x7FC];
	p5 =	sgt.s32 @p4 s4, s1;
	v4 =	vpsel p1, v4, v0;
	v5 =	vadd.f32 s3, v63  }
0xa3: {  	p5 =	por @!p4 p0, p0;
	(v2sf) =	vpush @p1 v4, $0xF;
	v4 =	vmov s10  }
0xa4: {  	s1 =	smov.u32 @p4 s1;
	p5 =	por !p5, !p4;
	v4 =	vsub.s32 v0, v4;
	vm15 =	vge.f32 v5, $1.152000000e+03  }
0xa5: {  	p3 =	seq.s32 s30, $0x1;
	s4 =	smov.u32 @p5 s1;
	s1 =	simm.s32 $0xFFFFFFFF;
	v4 =	vnsel vm15, $0x7FFFFFFF, v4  }
0xa6: {  	s3 =	sxor.u32 @p3 $0x80000000, s5;
	s1 =	smov.u32 @p4 s4  }
0xa7: {  	p5 =	sgt.s32 @p3 s1, s3  }
0xa8: {  	p5 =	por @!p3 p0, p0;
	(xrf0) =	vmax.scan.msk.u32 $0xffff, v4;
	v4, _, _ =	vpop @p0 (xrf0)  }
0xa9: {  	s3 =	smov.u32 @p3 s3;
	p5 =	por !p5, !p3;
	v4 =	vpsel p0, v4, v0  }
0xaa: {  	s4 =	simm.s32 $0xFFFFFFFF;
	s1 =	smov.u32 @p5 s3;
	s3 =	spop @p2 (v2sf);
	(v2sf) =	vpush @p0 v4, $0xF  }
0xab: {  	s3 =	sxor.u32 @p2 $0x80000000, s3;
	s4 =	smov.u32 @p3 s1  }
0xac: {  	p4 =	sgt.s32 @p2 s4, s3  }
0xad: {  	s1 =	spop (v2sf);
	p4 =	por @!p2 p0, p0  }
0xae: {  	s1 =	smov.u32 @p2 s3;
	p4 =	por !p4, !p2  }
0xaf: {  	s3 =	simm.s32 $0xFFFFFFFF;
	s4 =	smov.u32 @p4 s1;
	s1 =	spop @p6 (v2sf)  }
0xb0: {  	s1 =	sxor.u32 @p6 $0x80000000, s1;
	s3 =	smov.u32 @p2 s4  }
0xb1: {  	v4, _, _ =	vpop (xrf0);
	p3 =	sgt.s32 @p6 s3, s1  }
0xb2: {  	(v2sf) =	vpush v4, $0xF;
	p3 =	por @!p6 p0, p0  }
0xb3: {  	s1 =	smov.u32 @p6 s1;
	p3 =	por !p3, !p6  }
0xb4: {  	s4 =	simm.s32 $0xFFFFFFFF;
	s3 =	smov.u32 @p3 s1;
	s1 =	spop @p1 (v2sf)  }
0xb5: {  	s1 =	sxor.u32 @p1 $0x80000000, s1;
	s4 =	smov.u32 @p6 s3  }
0xb6: {  	p2 =	sgt.s32 @p1 s4, s1  }
0xb7: {  	p2 =	por @!p1 p0, p0  }
0xb8: {  	s1 =	smov.u32 @p1 s1;
	p2 =	por !p2, !p1  }
0xb9: {  	s3 =	simm.s32 $0xFFFFFFFF;
	s4 =	smov.u32 @p2 s1;
	s1 =	spop @p0 (v2sf)  }
0xba: {  	s3 =	smov.u32 @p1 s4;
	s1 =	sxor.u32 @p0 $0x80000000, s1  }
0xbb: {  	p1 =	sgt.s32 @p0 s3, s1  }
0xbc: {  	p1 =	por @!p0 p0, p0  }
0xbd: {  	s1 =	smov.u32 @p0 s1;
	p1 =	por !p1, !p0  }
0xbe: {  	s3 =	smov.u32 @p1 s1  }
0xbf: {  	s19 =	smov.u32 @p0 s3;
	s3 =	simm.s32 $0x0  }
0xc0: {  	[tilespmem:s3+$0x8200] =	vst v2  }
0xc1: {  	s31 =	spop (v2sf);
	[tilespmem:s3+$0x7800] =	vst v1  }
0xc2: {  	s1 =	sxor.u32 $0x80000000, s31;
	[tilespmem:s3+$0x7A00] =	vst v2  }
0xc3: {  	p0 =	sgt.s32 s19, s1;
	[tilespmem:s3+$0x7C00] =	vst v2  }
0xc4: {  	s4 =	simm.s32 $0x40;
	[tilespmem:s3+$0x7E00] =	vst v2;
	s1 =	smov.u32 @p0 s19  }
.LBB2_24:
0xc5: {  	p0 =	seq.s32 s4, $0x600;
	[tilespmem:s3+$0x8000] =	vst v2;
	s3 =	sshra.s32 s4, $0x2;
	s4 =	sadd.s32 $0x40, s4  }
.Ltmp11:
0xc6: {  	[tilespmem:s3+$0x8200] =	vst v2;
	(pc) =	sbr.rel @!p0 .LBB2_24-.Ltmp11, $4  }
0xc7: {  	[tilespmem:s3+$0x7800] =	vst v1  }
0xc8: {  	[tilespmem:s3+$0x7A00] =	vst v2  }
0xc9: {  	[tilespmem:s3+$0x7C00] =	vst v2  }
0xca: {  	[tilespmem:s3+$0x7E00] =	vst v2  }
0xcb: {  	[tilespmem:s3+$0x8000] =	vst v2;
	s6 =	simm.s32 $0x0  }
0xcc: {  	v5 =	vld [tilespmem:s6+$0x0];
	_ =	sdelay $0x4  }
0xcd: {  	v6 =	vadd.f32 $-6.000000240e-01, v5;
	_ =	sdelay $0x1  }
0xce: {  	v6 =	vmul.f32 $1.600000000e+02, v6;
	_ =	sdelay $0x1  }
0xcf: {  	v6 =	vtrunc.f32 v6  }
0xd0: {  	v6 =	vcvt.f32.s32 v6  }
0xd1: {  	v4 =	vmov s1;
	s3 =	simm.s32 $0x0;
	p0 =	por $0x1, $0x1  }
0xd2: {  	s3 =	simm.s32 @!p0 $0x180;
	vm0 =	vle.s32 v4, v6  }
0xd3: {  	[tilespmem:s3+$0x7800] =	vst.msk vm0, v5;
	v5 =	vsel vm0, $0x1, v3  }
0xd4: {  	v6 =	vld [tilespmem:s6+$0x1400];
	(xrf0) =	vadd.scan.msk.s32 $0xffff, v5;
	_ =	sdelay $0x4  }
0xd5: {  	[tilespmem:s3+$0x7A00] =	vst.msk vm0, v6  }
0xd6: {  	v5 =	vld [tilespmem:s6+$0x2800];
	v6, _, _ =	vpop (xrf0)  }
0xd7: {  	(v2sf) =	vpush v6, $0xF;
	_ =	sdelay $0x3  }
0xd8: {  	[tilespmem:s3+$0x7C00] =	vst.msk vm0, v5  }
0xd9: {  	v5 =	vld [tilespmem:s6+$0x3C00];
	_ =	sdelay $0x4  }
0xda: {  	[tilespmem:s3+$0x7E00] =	vst.msk vm0, v5  }
0xdb: {  	v5 =	vld [tilespmem:s6+$0x5000];
	_ =	sdelay $0x3  }
0xdc: {  	s31 =	spop (v2sf)  }
0xdd: {  	[tilespmem:s3+$0x8000] =	vst.msk vm0, v5;
	s1 =	sadd.s32 $0x0, s31  }
0xde: {  	s4 =	simm.s32 $0x40;
	s5 =	simm.s32 $0x80;
	p1 =	slt.s32 s1, $0x180;
	v5 =	vld [tilespmem:s6+$0x6400]  }
.LBB2_26:
0xdf: {  	_ =	sdelay $0x2  }
0xe0: {  	p0 =	sne.s32 s5, $0x4FC0  }
0xe1: {  	s6 =	sshra.s32 s4, $0x2;
	s4 =	smov.u32 s5;
	s5 =	sadd.s32 $0x40, s5;
	[tilespmem:s3+$0x8200] =	vst.msk vm0, v5  }
0xe2: {  	v5 =	vld [tilespmem:s6+$0x0];
	_ =	sdelay $0x4  }
0xe3: {  	v6 =	vadd.f32 $-6.000000240e-01, v5;
	_ =	sdelay $0x1  }
0xe4: {  	v6 =	vmul.f32 $1.600000000e+02, v6;
	_ =	sdelay $0x1  }
0xe5: {  	v6 =	vtrunc.f32 v6  }
0xe6: {  	v6 =	vcvt.f32.s32 v6  }
0xe7: {  	s3 =	smov.u32 s1  }
0xe8: {  	s3 =	simm.s32 @!p1 $0x180;
	vm0 =	vle.s32 v4, v6  }
0xe9: {  	[tilespmem:s3+$0x7800] =	vst.msk vm0, v5;
	v5 =	vsel vm0, $0x1, v3  }
0xea: {  	v6 =	vld [tilespmem:s6+$0x1400];
	(xrf0) =	vadd.scan.msk.s32 $0xffff, v5;
	_ =	sdelay $0x4  }
0xeb: {  	[tilespmem:s3+$0x7A00] =	vst.msk vm0, v6  }
0xec: {  	v5 =	vld [tilespmem:s6+$0x2800];
	v6, _, _ =	vpop (xrf0)  }
0xed: {  	(v2sf) =	vpush v6, $0xF;
	_ =	sdelay $0x3  }
0xee: {  	[tilespmem:s3+$0x7C00] =	vst.msk vm0, v5  }
0xef: {  	v5 =	vld [tilespmem:s6+$0x3C00];
	_ =	sdelay $0x4  }
0xf0: {  	[tilespmem:s3+$0x7E00] =	vst.msk vm0, v5  }
0xf1: {  	v5 =	vld [tilespmem:s6+$0x5000];
	_ =	sdelay $0x1  }
.Ltmp12:
0xf2: {  	(pc) =	sbr.rel @p0 .LBB2_26-.Ltmp12, $4  }
0xf3: {  	_ = 	snop  }
0xf4: {  	s7 =	spop (v2sf)  }
0xf5: {  	[tilespmem:s3+$0x8000] =	vst.msk vm0, v5;
	s1 =	sadd.s32 s1, s7  }
0xf6: {  	p1 =	slt.s32 s1, $0x180;
	v5 =	vld [tilespmem:s6+$0x6400]  }
0xf7: {  	_ =	sdelay $0x3  }
0xf8: {  	s4 =	sshra.s32 s4, $0x2;
	[tilespmem:s3+$0x8200] =	vst.msk vm0, v5  }
0xf9: {  	v5 =	vld [tilespmem:s4+$0x0];
	_ =	sdelay $0x4  }
0xfa: {  	v6 =	vadd.f32 $-6.000000240e-01, v5;
	_ =	sdelay $0x1  }
0xfb: {  	v6 =	vmul.f32 $1.600000000e+02, v6;
	_ =	sdelay $0x1  }
0xfc: {  	v6 =	vtrunc.f32 v6  }
0xfd: {  	v6 =	vcvt.f32.s32 v6;
	_ =	sdelay $0x1  }
0xfe: {  	s1 =	simm.s32 @!p1 $0x180;
	vm15 =	vle.s32 v4, v6  }
0xff: {  	[tilespmem:s1+$0x7800] =	vst.msk vm15, v5  }
0x100: {  	v4 =	vld [tilespmem:s4+$0x1400];
	_ =	sdelay $0x4  }
0x101: {  	[tilespmem:s1+$0x7A00] =	vst.msk vm15, v4  }
0x102: {  	v4 =	vsel vm15, $0x1, v3;
	v5 =	vld [tilespmem:s4+$0x2800]  }
0x103: {  	(xrf0) =	vadd.scan.msk.s32 $0xffff, v4;
	_ =	sdelay $0x3  }
0x104: {  	[tilespmem:s1+$0x7C00] =	vst.msk vm15, v5  }
0x105: {  	v4 =	vld [tilespmem:s4+$0x3C00]  }
0x106: {  	v5, _, _ =	vpop (xrf0)  }
0x107: {  	(v2sf) =	vpush v5, $0xF;
	_ =	sdelay $0x2  }
0x108: {  	[tilespmem:s1+$0x7E00] =	vst.msk vm15, v4  }
0x109: {  	v4 =	vld [tilespmem:s4+$0x5000];
	_ =	sdelay $0x4  }
0x10a: {  	[tilespmem:s1+$0x8000] =	vst.msk vm15, v4  }
0x10b: {  	v4 =	vld [tilespmem:s4+$0x6400];
	_ =	sdelay $0x4  }
0x10c: {  	s20 =	rddreg [dreg:$0xa];
	s3 =	simm.s32 $0x7800;
	s19 =	spop (v2sf);
	[tilespmem:s1+$0x8200] =	vst.msk vm15, v4  }
0x10d: {  	[hbm4b:s20+s17] =	stream.strided.scatter [tilespmem:s3], [sflag:$0x2], $0x180, s18, s17, $0x38;
	[tilespmem:$0x8480] =	vst v63  }
0x10e: {  	_ =	swait.ge [sflag:s26], $0x180  }
0x10f: {  	[sflag:s26] =	ssyncset.done $0x0  }
0x110: {  	s22 =	simm.s32 $0x7A00;
	s21 =	rddreg [dreg:$0xb];
	[sflag:s26] =	ssyncadd.s32 $0xFFFFFE80  }
0x111: {  	[hbm4b:s21+s17] =	stream.strided.scatter [tilespmem:s22], [sflag:$0x2], $0x180, s18, s17, $0x38;
	[tilespmem:$0x8480] =	vst v63  }
0x112: {  	_ =	swait.ge [sflag:s26], $0x180  }
0x113: {  	[sflag:s26] =	ssyncset.done $0x0  }
0x114: {  	s25 =	simm.s32 $0x7C00;
	s23 =	rddreg [dreg:$0xc];
	[sflag:s26] =	ssyncadd.s32 $0xFFFFFE80  }
0x115: {  	[hbm4b:s23+s17] =	stream.strided.scatter [tilespmem:s25], [sflag:$0x2], $0x180, s18, s17, $0x38;
	[tilespmem:$0x8480] =	vst v63  }
0x116: {  	_ =	swait.ge [sflag:s26], $0x180  }
0x117: {  	[sflag:s26] =	ssyncset.done $0x0  }
0x118: {  	s29 =	simm.s32 $0x7E00;
	s28 =	rddreg [dreg:$0xd];
	[sflag:s26] =	ssyncadd.s32 $0xFFFFFE80  }
0x119: {  	[hbm4b:s28+s17] =	stream.strided.scatter [tilespmem:s29], [sflag:$0x2], $0x180, s18, s17, $0x38;
	[tilespmem:$0x8480] =	vst v63  }
0x11a: {  	_ =	swait.ge [sflag:s26], $0x180  }
0x11b: {  	[sflag:s26] =	ssyncset.done $0x0  }
0x11c: {  	s30 =	simm.s32 $0x8000;
	[sflag:s26] =	ssyncadd.s32 $0xFFFFFE80  }
0x11d: {  	[hbm4b:s14+s17] =	stream.strided.scatter [tilespmem:s30], [sflag:$0x2], $0x180, s18, s17, $0x38;
	[tilespmem:$0x8480] =	vst v63  }
0x11e: {  	_ =	swait.ge [sflag:s26], $0x180  }
0x11f: {  	s0 =	sadd.s32 $0x1, s0;
	[sflag:s26] =	ssyncset.done $0x0  }
0x120: {  	s31 =	simm.s32 $0x8200;
	p0 =	sne.s32 s0, s16;
	[sflag:s26] =	ssyncadd.s32 $0xFFFFFE80  }
0x121: {  	[hbm4b:s15+s17] =	stream.strided.scatter [tilespmem:s31], [sflag:$0x2], $0x180, s18, s17, $0x38;
	[tilespmem:$0x8480] =	vst v63  }
.Ltmp13:
0x122: {  	_ = 	snop;
	(pc) =	sbr.rel @p0 .LBB2_1-.Ltmp13, $4  }
.Ltmp14:
0x123: {  	_ = 	snop;
	(pc) =	sbr.rel @!p0 .LBB2_28-.Ltmp14, $4  }
0x124: {  	_ =	swait.ge [sflag:s26], $0x180  }
0x125: {  	[sflag:s26] =	ssyncset.done $0x0  }
0x126: {  	[sflag:s26] =	ssyncadd.s32 $0xFFFFFE80  }
0x127: {  	_ = 	snop  }
.LBB2_2:
0x128: {  	p0 =	por $0x0, $0x0  }
0x129: {  	s1 =	simm.s32 @!p0 $0x0  }
0x12a: {  	s1 =	simm.s32 @p0 $0x1;
	p0 =	por $0x0, $0x0  }
0x12b: {  	[smem:$0x7F7] =	sst s1;
	s1 =	simm.s32 @!p0 $0x0  }
0x12c: {  	p1 =	por $0x0, $0x0;
	s1 =	simm.s32 @p0 $0x1  }
0x12d: {  	[smem:$0x7F8] =	sst s1;
	s1 =	simm.s32 @!p1 $0x0  }
0x12e: {  	p2 =	por $0x0, $0x0;
	s1 =	simm.s32 @p1 $0x1  }
0x12f: {  	[smem:$0x7F9] =	sst s1;
	s1 =	simm.s32 @!p2 $0x0  }
0x130: {  	s1 =	simm.s32 @p2 $0x1;
	p2 =	por $0x0, $0x0  }
0x131: {  	p3 =	por $0x0, $0x0;
	[smem:$0x7FA] =	sst s1;
	s1 =	simm.s32 @!p2 $0x0  }
0x132: {  	p4 =	por $0x0, $0x0;
	s8 =	simm.s32 $0xFFFFFFFF;
	s1 =	simm.s32 @p2 $0x1  }
.Ltmp15:
0x133: {  	[smem:$0x7FB] =	sst s1;
	s1 =	simm.s32 @!p3 $0x0;
	(pc) =	sbr.rel .LBB2_23-.Ltmp15, $4  }
0x134: {  	s25 =	simm.f32 $0.0e+00;
	s10 =	simm.s32 $0x0;
	s1 =	simm.s32 @p3 $0x1  }
0x135: {  	s7 =	simm.f32 $0.0e+00;
	[smem:$0x7FC] =	sst s1;
	s1 =	simm.s32 @!p4 $0x0  }
0x136: {  	s31 =	simm.f32 $0.0e+00;
	s3 =	simm.f32 $0.0e+00;
	s1 =	simm.s32 @p4 $0x1  }
0x137: {  	p0 =	por $0x0, $0x0;
	p3 =	por $0x0, $0x0;
	[smem:$0x7FD] =	sst s1  }
.LBB2_4:
0x138: {  	p0 =	por $0x1, $0x1  }
0x139: {  	s1 =	simm.s32 @!p0 $0x0  }
0x13a: {  	s1 =	simm.s32 @p0 $0x1;
	p0 =	por $0x0, $0x0  }
0x13b: {  	[smem:$0x7F7] =	sst s1;
	s1 =	simm.s32 @!p0 $0x0  }
0x13c: {  	p1 =	por $0x0, $0x0;
	s1 =	simm.s32 @p0 $0x1  }
0x13d: {  	[smem:$0x7F8] =	sst s1;
	s1 =	simm.s32 @!p1 $0x0  }
0x13e: {  	p2 =	por $0x0, $0x0;
	s1 =	simm.s32 @p1 $0x1  }
0x13f: {  	[smem:$0x7F9] =	sst s1;
	s1 =	simm.s32 @!p2 $0x0  }
0x140: {  	s1 =	simm.s32 @p2 $0x1;
	p2 =	por $0x0, $0x0  }
0x141: {  	p3 =	por $0x0, $0x0;
	[smem:$0x7FA] =	sst s1;
	s1 =	simm.s32 @!p2 $0x0  }
0x142: {  	p4 =	por $0x0, $0x0;
	s8 =	simm.s32 $0xFFFFFFFF;
	s1 =	simm.s32 @p2 $0x1  }
.Ltmp16:
0x143: {  	[smem:$0x7FB] =	sst s1;
	s1 =	simm.s32 @!p3 $0x0;
	(pc) =	sbr.rel .LBB2_23-.Ltmp16, $4  }
0x144: {  	s25 =	simm.f32 $0.0e+00;
	s21 =	simm.s32 $0x0;
	s1 =	simm.s32 @p3 $0x1  }
0x145: {  	s7 =	simm.f32 $0.0e+00;
	[smem:$0x7FC] =	sst s1;
	s1 =	simm.s32 @!p4 $0x0  }
0x146: {  	s31 =	simm.f32 $0.0e+00;
	s3 =	simm.f32 $0.0e+00;
	s1 =	simm.s32 @p4 $0x1  }
0x147: {  	p0 =	por $0x0, $0x0;
	p3 =	por $0x0, $0x0;
	[smem:$0x7FD] =	sst s1  }
.LBB2_6:
0x148: {  	p0 =	por $0x1, $0x1  }
0x149: {  	s1 =	simm.s32 @!p0 $0x0  }
0x14a: {  	s1 =	simm.s32 @p0 $0x1;
	p0 =	por $0x1, $0x1  }
0x14b: {  	[smem:$0x7F7] =	sst s1;
	s1 =	simm.s32 @!p0 $0x0  }
0x14c: {  	p1 =	por $0x0, $0x0;
	s1 =	simm.s32 @p0 $0x1  }
0x14d: {  	[smem:$0x7F8] =	sst s1;
	s1 =	simm.s32 @!p1 $0x0  }
0x14e: {  	p2 =	por $0x0, $0x0;
	s1 =	simm.s32 @p1 $0x1  }
0x14f: {  	p3 =	por $0x0, $0x0;
	[smem:$0x7F9] =	sst s1;
	s1 =	simm.s32 @!p2 $0x0  }
0x150: {  	p4 =	por $0x0, $0x0;
	s1 =	simm.s32 @p2 $0x1;
	p2 =	por $0x0, $0x0  }
0x151: {  	s8 =	simm.s32 $0xFFFFFFFF;
	[smem:$0x7FA] =	sst s1;
	s1 =	simm.s32 @!p2 $0x0  }
0x152: {  	s25 =	simm.f32 $0.0e+00;
	s9 =	simm.s32 $0x0;
	s1 =	simm.s32 @p2 $0x1  }
.Ltmp17:
0x153: {  	[smem:$0x7FB] =	sst s1;
	s1 =	simm.s32 @!p3 $0x0;
	(pc) =	sbr.rel .LBB2_23-.Ltmp17, $4  }
0x154: {  	s21 =	simm.s32 $0x10;
	s10 =	simm.s32 $0x20;
	s1 =	simm.s32 @p3 $0x1  }
0x155: {  	s7 =	simm.f32 $0.0e+00;
	[smem:$0x7FC] =	sst s1;
	s1 =	simm.s32 @!p4 $0x0  }
0x156: {  	s31 =	simm.f32 $0.0e+00;
	s3 =	simm.f32 $0.0e+00;
	s1 =	simm.s32 @p4 $0x1  }
0x157: {  	p0 =	por $0x0, $0x0;
	p3 =	por $0x0, $0x0;
	[smem:$0x7FD] =	sst s1  }
.LBB2_8:
0x158: {  	p0 =	por $0x1, $0x1  }
0x159: {  	s1 =	simm.s32 @!p0 $0x0  }
0x15a: {  	s1 =	simm.s32 @p0 $0x1;
	p0 =	por $0x1, $0x1  }
0x15b: {  	[smem:$0x7F7] =	sst s1;
	s1 =	simm.s32 @!p0 $0x0  }
0x15c: {  	p1 =	por $0x0, $0x0;
	s1 =	simm.s32 @p0 $0x1  }
0x15d: {  	[smem:$0x7F8] =	sst s1;
	s1 =	simm.s32 @!p1 $0x0  }
0x15e: {  	p2 =	por $0x1, $0x1;
	p3 =	por $0x0, $0x0;
	s1 =	simm.s32 @p1 $0x1  }
0x15f: {  	p4 =	por $0x0, $0x0;
	[smem:$0x7F9] =	sst s1;
	s1 =	simm.s32 @!p2 $0x0  }
0x160: {  	s8 =	simm.s32 $0xFFFFFFFF;
	s1 =	simm.s32 @p2 $0x1;
	p2 =	por $0x0, $0x0  }
0x161: {  	s25 =	simm.f32 $0.0e+00;
	[smem:$0x7FA] =	sst s1;
	s1 =	simm.s32 @!p2 $0x0  }
0x162: {  	s5 =	simm.s32 $0x0;
	s9 =	simm.s32 $0x10;
	s1 =	simm.s32 @p2 $0x1  }
.Ltmp18:
0x163: {  	[smem:$0x7FB] =	sst s1;
	s1 =	simm.s32 @!p3 $0x0;
	(pc) =	sbr.rel .LBB2_23-.Ltmp18, $4  }
0x164: {  	s21 =	simm.s32 $0x20;
	s10 =	simm.s32 $0x30;
	s1 =	simm.s32 @p3 $0x1  }
0x165: {  	s7 =	simm.f32 $0.0e+00;
	[smem:$0x7FC] =	sst s1;
	s1 =	simm.s32 @!p4 $0x0  }
0x166: {  	s31 =	simm.f32 $0.0e+00;
	s3 =	simm.f32 $0.0e+00;
	s1 =	simm.s32 @p4 $0x1  }
0x167: {  	p0 =	por $0x0, $0x0;
	p3 =	por $0x0, $0x0;
	[smem:$0x7FD] =	sst s1  }
.LBB2_10:
0x168: {  	p0 =	por $0x1, $0x1  }
0x169: {  	s1 =	simm.s32 @!p0 $0x0  }
0x16a: {  	s1 =	simm.s32 @p0 $0x1;
	p0 =	por $0x1, $0x1  }
0x16b: {  	[smem:$0x7F7] =	sst s1;
	s1 =	simm.s32 @!p0 $0x0  }
0x16c: {  	p1 =	por $0x0, $0x0;
	s1 =	simm.s32 @p0 $0x1  }
0x16d: {  	p2 =	por $0x1, $0x1;
	[smem:$0x7F8] =	sst s1;
	s1 =	simm.s32 @!p1 $0x0  }
0x16e: {  	p3 =	por $0x0, $0x0;
	p4 =	por $0x0, $0x0;
	s1 =	simm.s32 @p1 $0x1  }
0x16f: {  	s8 =	simm.s32 $0xFFFFFFFF;
	[smem:$0x7F9] =	sst s1;
	s1 =	simm.s32 @!p2 $0x0  }
0x170: {  	s25 =	simm.f32 $0.0e+00;
	s1 =	simm.s32 @p2 $0x1;
	p2 =	por $0x1, $0x1  }
0x171: {  	s6 =	simm.s32 $0x0;
	[smem:$0x7FA] =	sst s1;
	s1 =	simm.s32 @!p2 $0x0  }
0x172: {  	s5 =	simm.s32 $0x10;
	s9 =	simm.s32 $0x20;
	s1 =	simm.s32 @p2 $0x1  }
.Ltmp19:
0x173: {  	[smem:$0x7FB] =	sst s1;
	s1 =	simm.s32 @!p3 $0x0;
	(pc) =	sbr.rel .LBB2_23-.Ltmp19, $4  }
0x174: {  	s21 =	simm.s32 $0x30;
	s10 =	simm.s32 $0x40;
	s1 =	simm.s32 @p3 $0x1  }
0x175: {  	s7 =	simm.f32 $0.0e+00;
	[smem:$0x7FC] =	sst s1;
	s1 =	simm.s32 @!p4 $0x0  }
0x176: {  	s31 =	simm.f32 $0.0e+00;
	s3 =	simm.f32 $0.0e+00;
	s1 =	simm.s32 @p4 $0x1  }
0x177: {  	v11 =	vmov v6;
	v6 =	vmov v7;
	p0 =	por $0x0, $0x0;
	p3 =	por $0x0, $0x0;
	[smem:$0x7FD] =	sst s1  }
.LBB2_12:
0x178: {  	p0 =	por $0x1, $0x1  }
0x179: {  	s1 =	simm.s32 @!p0 $0x0  }
0x17a: {  	s1 =	simm.s32 @p0 $0x1;
	p0 =	por $0x1, $0x1  }
0x17b: {  	[smem:$0x7F7] =	sst s1;
	s1 =	simm.s32 @!p0 $0x0  }
0x17c: {  	p1 =	por $0x0, $0x0;
	s1 =	simm.s32 @p0 $0x1  }
0x17d: {  	[smem:$0x7F8] =	sst s1;
	s1 =	simm.s32 @!p1 $0x0  }
0x17e: {  	p2 =	por $0x1, $0x1;
	p3 =	por $0x1, $0x1;
	s1 =	simm.s32 @p1 $0x1  }
0x17f: {  	p4 =	por $0x0, $0x0;
	[smem:$0x7F9] =	sst s1;
	s1 =	simm.s32 @!p2 $0x0  }
0x180: {  	s8 =	simm.s32 $0xFFFFFFFF;
	s1 =	simm.s32 @p2 $0x1;
	p2 =	por $0x1, $0x1  }
0x181: {  	s6 =	simm.s32 $0x10;
	[smem:$0x7FA] =	sst s1;
	s1 =	simm.s32 @!p2 $0x0  }
0x182: {  	s5 =	simm.s32 $0x20;
	s9 =	simm.s32 $0x30;
	s1 =	simm.s32 @p2 $0x1  }
.Ltmp20:
0x183: {  	[smem:$0x7FB] =	sst s1;
	s1 =	simm.s32 @!p3 $0x0;
	(pc) =	sbr.rel .LBB2_23-.Ltmp20, $4  }
0x184: {  	s21 =	simm.s32 $0x40;
	s10 =	simm.s32 $0x50;
	s1 =	simm.s32 @p3 $0x1  }
0x185: {  	s7 =	simm.f32 $0.0e+00;
	[smem:$0x7FC] =	sst s1;
	s1 =	simm.s32 @!p4 $0x0  }
0x186: {  	s31 =	simm.f32 $0.0e+00;
	s25 =	smov.u32 s3;
	s1 =	simm.s32 @p4 $0x1  }
0x187: {  	v6 =	vmov v5;
	v11 =	vmov v7;
	p0 =	por $0x0, $0x0;
	p3 =	por $0x0, $0x0;
	[smem:$0x7FD] =	sst s1  }
.LBB2_14:
0x188: {  	p0 =	por $0x1, $0x1  }
0x189: {  	s1 =	simm.s32 @!p0 $0x0  }
0x18a: {  	s1 =	simm.s32 @p0 $0x1;
	p0 =	por $0x1, $0x1  }
0x18b: {  	[smem:$0x7F7] =	sst s1;
	s1 =	simm.s32 @!p0 $0x0  }
0x18c: {  	p1 =	por $0x0, $0x0;
	s1 =	simm.s32 @p0 $0x1  }
0x18d: {  	[smem:$0x7F8] =	sst s1;
	s1 =	simm.s32 @!p1 $0x0  }
0x18e: {  	p2 =	por $0x1, $0x1;
	s1 =	simm.s32 @p1 $0x1  }
0x18f: {  	p3 =	por $0x1, $0x1;
	[smem:$0x7F9] =	sst s1;
	s1 =	simm.s32 @!p2 $0x0  }
0x190: {  	p4 =	por $0x1, $0x1;
	s1 =	simm.s32 @p2 $0x1;
	p2 =	por $0x1, $0x1  }
0x191: {  	s8 =	simm.s32 $0xFFFFFFFF;
	[smem:$0x7FA] =	sst s1;
	s1 =	simm.s32 @!p2 $0x0  }
0x192: {  	s6 =	simm.s32 $0x20;
	s5 =	simm.s32 $0x30;
	s1 =	simm.s32 @p2 $0x1  }
.Ltmp21:
0x193: {  	[smem:$0x7FB] =	sst s1;
	s1 =	simm.s32 @!p3 $0x0;
	(pc) =	sbr.rel .LBB2_23-.Ltmp21, $4  }
0x194: {  	s9 =	simm.s32 $0x40;
	s21 =	simm.s32 $0x50;
	s1 =	simm.s32 @p3 $0x1  }
0x195: {  	s10 =	simm.s32 $0x60;
	[smem:$0x7FC] =	sst s1;
	s1 =	simm.s32 @!p4 $0x0  }
0x196: {  	s7 =	simm.f32 $0.0e+00;
	s25 =	smov.u32 s31;
	s1 =	simm.s32 @p4 $0x1  }
0x197: {  	v6 =	vmov v9;
	v13 =	vmov v8;
	v11 =	vmov v5;
	p0 =	por $0x0, $0x0;
	p3 =	por $0x0, $0x0;
	[smem:$0x7FD] =	sst s1  }
.LBB2_16:
0x198: {  	s1 =	simm.s32 @!p0 $0x0  }
0x199: {  	s1 =	simm.s32 @p0 $0x1;
	p0 =	por $0x1, $0x1  }
0x19a: {  	[smem:$0x7F7] =	sst s1;
	s1 =	simm.s32 @!p0 $0x0  }
0x19b: {  	p1 =	por $0x1, $0x1;
	s1 =	simm.s32 @p0 $0x1  }
0x19c: {  	[smem:$0x7F8] =	sst s1;
	s1 =	simm.s32 @!p1 $0x0  }
0x19d: {  	p2 =	por $0x1, $0x1;
	s1 =	simm.s32 @p1 $0x1  }
0x19e: {  	[smem:$0x7F9] =	sst s1;
	s1 =	simm.s32 @!p2 $0x0  }
0x19f: {  	p3 =	por $0x1, $0x1;
	s1 =	simm.s32 @p2 $0x1;
	p2 =	por $0x1, $0x1  }
0x1a0: {  	p4 =	por $0x1, $0x1;
	[smem:$0x7FA] =	sst s1;
	s1 =	simm.s32 @!p2 $0x0  }
0x1a1: {  	s8 =	simm.s32 $0xFFFFFFFF;
	s6 =	simm.s32 $0x30;
	s1 =	simm.s32 @p2 $0x1  }
.Ltmp22:
0x1a2: {  	[smem:$0x7FB] =	sst s1;
	s1 =	simm.s32 @!p3 $0x0;
	(pc) =	sbr.rel .LBB2_23-.Ltmp22, $4  }
0x1a3: {  	s5 =	simm.s32 $0x40;
	s9 =	simm.s32 $0x50;
	s1 =	simm.s32 @p3 $0x1  }
0x1a4: {  	s21 =	simm.s32 $0x60;
	[smem:$0x7FC] =	sst s1;
	s1 =	simm.s32 @!p4 $0x0  }
0x1a5: {  	s10 =	simm.s32 $0x70;
	s25 =	smov.u32 s7;
	s1 =	simm.s32 @p4 $0x1  }
0x1a6: {  	v13 =	vmov v10;
	v11 =	vmov v9;
	v6 =	vmov v7;
	p0 =	por $0x0, $0x0;
	p3 =	por $0x0, $0x0;
	[smem:$0x7FD] =	sst s1  }
.LBB2_18:
.Ltmp23:
0x1a7: {  	(pc) =	sbr.rel .LBB2_23-.Ltmp23, $3  }
0x1a8: {  	_ =	sdelay $0x1  }
0x1a9: {  	s8 =	simm.s32 $0xFFFFFFFF;
	s25 =	smov.u32 s20;
	s6 =	simm.s32 $0x40  }
0x1aa: {  	v13 =	vmov v14;
	v11 =	vmov v7;
	v6 =	vmov v12;
	s5 =	simm.s32 $0x50;
	s9 =	simm.s32 $0x60;
	p3 =	por $0x0, $0x0  }
.LBB2_20:
.Ltmp24:
0x1ab: {  	(pc) =	sbr.rel .LBB2_23-.Ltmp24, $3  }
0x1ac: {  	_ =	sdelay $0x1  }
0x1ad: {  	s8 =	simm.s32 $0xFFFFFFFF;
	s6 =	simm.s32 $0x50;
	s5 =	simm.s32 $0x60  }
0x1ae: {  	v11 =	vmov v12;
	s9 =	simm.s32 $0x70;
	s21 =	simm.s32 $0x80;
	s10 =	simm.s32 $0x90  }
.LBB2_28:
0x1af: {  	_ =	sfence.sel $0x180000  }
0x1b0: {  	[bflag:$0x0] =	sbarrier.arrive $0xFFFF  }
0x1b1: {  	_ =	strace $0x90000047  }
0x1b2: {  	s0 =	stileid.u32;
	[bflag:$0x2] =	sbarrier.arrive $0xFFFF  }
0x1b3: {  	p0 =	sne.s32 s0, $0x0;
	s0 =	rddreg [dreg:$0x2]  }
0x1b4: {  	s0 =	sadd.s32 @!p0 $0x100000, s0  }
0x1b5: {  	[sflag:s0] =	ssyncadd.tile.s32 @!p0 $0x1;
	_ =	shalt  }
.Lfunc_end2:
_tile_overlayer_lowered:
.L_overlay_start_2:
0x1b6: {  	(tag) =	ssettag $0x2  }
0x1b7: {  	s0 =	rddreg [dreg:$0x0];
	s2 =	stileid.u32  }
0x1b8: {  	s1 =	rddreg [dreg:$0x1];
	p0 =	sne.s32 s2, $0x0  }
0x1b9: {  	s3 =	rddreg [dreg:$0x2];
	[bflag:$0x3] =	sbarrier.arrive $0xFFFF;
	s2 =	simm.s32 @!p0 $0x1C02  }
0x1ba: {  	[timem:s3], [sflag:s2] =	dma.local @!p0 [hbm:s0], s1  }
0x1bb: {  	s0 =	simm.s32 @!p0 $0x2  }
0x1bc: {  	_ =	swait.ge @!p0 [sflag:s0], s1  }
0x1bd: {  	s1 =	ssub.s32 @!p0 $0x0, s1;
	[sflag:s0] =	ssyncset.done @!p0 $0x0  }
0x1be: {  	[sflag:s0] =	ssyncadd.s32 @!p0 s1  }
0x1bf: {  	[bflag:$0x3] =	sbarrier.arrive $0xFFFF  }
0x1c0: {  	_ =	shalt  }

</sc_bundles>
